<compile_context>
chip_gen: v7x
topology: tpu7x:2x2x1
jax: 0.10.2.dev20260603
libtpu: 0.0.44.dev20260713+nightly
codegen_flags: <defaults>
</compile_context>

<pallas_src>
import functools

import jax
import jax.numpy as jnp
from jax import lax
from jax.experimental import pallas as pl
from jax.experimental.pallas import tpu as pltpu
from jax.experimental.pallas import tpu_sc as plsc

NUM_LEVELS = 4
TABLE_W = 1001
BATCH = 4096
SEQ_L = 200

NUM_WORKERS = 32
COLS_PER_W = BATCH // NUM_WORKERS
VREGS_PER_ROW = COLS_PER_W // 16
_NCHUNK = 5
_CHUNK = SEQ_L // _NCHUNK

_MESH = plsc.VectorSubcoreMesh(core_axis_name="c", subcore_axis_name="s")


@functools.partial(
    pl.kernel,
    out_type=jax.ShapeDtypeStruct((SEQ_L, BATCH), jnp.float32),
    mesh=_MESH,
    scratch_types=[
        pltpu.VMEM((NUM_LEVELS, TABLE_W), jnp.float32),
        pltpu.VMEM((COLS_PER_W,), jnp.int32),
        pltpu.VMEM((_CHUNK, COLS_PER_W), jnp.int32),
        pltpu.VMEM((_CHUNK, COLS_PER_W), jnp.int32),
        pltpu.VMEM((COLS_PER_W * NUM_LEVELS,), jnp.float32),
        pltpu.VMEM((_CHUNK, COLS_PER_W), jnp.float32),
        pltpu.VMEM((_CHUNK, COLS_PER_W), jnp.float32),
        pltpu.SemaphoreType.DMA,
        pltpu.SemaphoreType.DMA,
        pltpu.SemaphoreType.DMA,
        pltpu.SemaphoreType.DMA,
    ],
    compiler_params=pltpu.CompilerParams(needs_layout_passes=False),
)
def _sc_gather(t_hbm, labels_hbm, table_hbm, out_hbm,
               table_v, t_v, lbl0_v, lbl1_v, rates_v, out0_v, out1_v,
               lsem0, lsem1, osem0, osem1):
    wid = lax.axis_index("s") * 2 + lax.axis_index("c")
    col0 = wid * COLS_PER_W
    lbufs, obufs = (lbl0_v, lbl1_v), (out0_v, out1_v)
    lsems, osems = (lsem0, lsem1), (osem0, osem1)

    def fetch(g):
        return pltpu.async_copy(
            labels_hbm.at[pl.ds(g * _CHUNK, _CHUNK), pl.ds(col0, COLS_PER_W)],
            lbufs[g % 2], lsems[g % 2])

    in_flight = [fetch(0), fetch(1)]

    pltpu.sync_copy(table_hbm, table_v)
    pltpu.sync_copy(t_hbm.at[pl.ds(col0, COLS_PER_W)], t_v)

    lane = lax.iota(jnp.int32, 16)

    @plsc.parallel_loop(0, COLS_PER_W * NUM_LEVELS, 16, unroll=2)
    def rates_stage(p0):
        base = pl.multiple_of(p0, 16)
        p = p0 + lane
        b = lax.shift_right_logical(p, 2)
        k = lax.bitwise_and(p, 3)
        tb = plsc.load_gather(t_v, [b])
        rates_v[pl.ds(base, 16)] = plsc.load_gather(table_v, [k, tb])

    bases = [lax.shift_left(j * 16 + lane, 2) for j in range(VREGS_PER_ROW)]

    out_flight = [None, None]
    for g in range(_NCHUNK):
        in_flight[g % 2].wait()
        if g + 2 < _NCHUNK:
            in_flight[g % 2] = fetch(g + 2)
        if out_flight[g % 2] is not None:
            out_flight[g % 2].wait()
        lbl_v, out_v = lbufs[g % 2], obufs[g % 2]

        @plsc.parallel_loop(0, _CHUNK, 1)
        def apply_stage(l):
            for j in range(VREGS_PER_ROW):
                lbl = lbl_v[l, pl.ds(j * 16, 16)]
                out_v[l, pl.ds(j * 16, 16)] = plsc.load_gather(
                    rates_v, [bases[j] + lbl])

        out_flight[g % 2] = pltpu.async_copy(
            out_v,
            out_hbm.at[pl.ds(g * _CHUNK, _CHUNK), pl.ds(col0, COLS_PER_W)],
            osems[g % 2])

    for h in out_flight:
        if h is not None:
            h.wait()


def kernel(t, hierarchy_labels, masking_rates):
    out_t = _sc_gather(t.astype(jnp.int32),
                       hierarchy_labels.astype(jnp.int32).T,
                       masking_rates.astype(jnp.float32))
    return out_t.T

# --- scband reference (transcript-rebuilt; emitter-appended) ---
"""Pipeline reference for scband-hierarchical-noise-schedule-83434034692478 (READ-ONLY COPY).

The authoritative reference and input builder live on the scoring server;
editing this copy changes nothing except your own understanding.
"""

import jax, jax.numpy as jnp
import numpy as np
import math

NUM_LEVELS = 4
NUM_TIMESTEPS = 1000
BATCH = 4096
SEQ_L = 200

def _build_masking_rates():
    t = jnp.linspace(0.0, 1.0, NUM_TIMESTEPS + 1)
    schedules = []
    for k in range(NUM_LEVELS):
        offset = 0.15 * (NUM_LEVELS - 1 - k)
        t_eff = jnp.clip(t - offset, 0.0, None)
        mask_rate = jnp.cos(math.pi / 2.0 * t_eff) ** 2
        schedules.append(mask_rate)
    return jnp.stack(schedules)  # [K, T+1]

def setup_inputs(seed: int = 0) -> dict:
    key = jax.random.key(seed)
    k1, k2 = jax.random.split(key)
    t = jax.random.randint(k1, (BATCH,), 0, NUM_TIMESTEPS)
    hierarchy_labels = jax.random.randint(k2, (BATCH, SEQ_L), 0, NUM_LEVELS)
    masking_rates = _build_masking_rates().astype(jnp.float32)
    return {"t": t, "hierarchy_labels": hierarchy_labels, "masking_rates": masking_rates}

def reference(t, hierarchy_labels, masking_rates):
    # torch: rates = self.masking_rates[:, t].T  -> [B, K]
    rates = jnp.take(masking_rates, t, axis=1).T  # [B, K]
    # torch: gather(rates.unsqueeze(2).expand(-1,-1,L), dim=1, index=labels.unsqueeze(1)).squeeze(1)
    # equivalent: out[b, l] = rates[b, hierarchy_labels[b, l]]
    out = jnp.take_along_axis(rates, hierarchy_labels, axis=1)  # [B, L]
    return out

if __name__ == "__main__":
    import jax
    _d = setup_inputs()
    print(jax.jit(kernel)(*tuple(_d.values())))

</pallas_src>

<mosaic_0001>
#map = affine_map<(d0, d1) -> (0)>
#map1 = affine_map<(d0, d1) -> (0, 0)>
module attributes {stable_mosaic.version = 14 : i64} {
  func.func @_sc_gather(%arg0: i32, %arg1: i32, %arg2: memref<4096xi32, #tpu.memory_space<hbm>>, %arg3: memref<200x4096xi32, #tpu.memory_space<hbm>>, %arg4: memref<4x1001xf32, #tpu.memory_space<hbm>>, %arg5: memref<200x4096xf32, #tpu.memory_space<hbm>>, %arg6: memref<4x1001xf32, #tpu.memory_space<vmem>>, %arg7: memref<128xi32, #tpu.memory_space<vmem>>, %arg8: memref<40x128xi32, #tpu.memory_space<vmem>>, %arg9: memref<40x128xi32, #tpu.memory_space<vmem>>, %arg10: memref<512xf32, #tpu.memory_space<vmem>>, %arg11: memref<40x128xf32, #tpu.memory_space<vmem>>, %arg12: memref<40x128xf32, #tpu.memory_space<vmem>>, %arg13: memref<!tpu.dma_semaphore, #tpu.memory_space<semaphore_mem>>, %arg14: memref<!tpu.dma_semaphore, #tpu.memory_space<semaphore_mem>>, %arg15: memref<!tpu.dma_semaphore, #tpu.memory_space<semaphore_mem>>, %arg16: memref<!tpu.dma_semaphore, #tpu.memory_space<semaphore_mem>>) attributes {dimension_semantics = [#tpu.dimension_semantics<core_parallel>, #tpu.dimension_semantics<subcore_parallel>], iteration_bounds = array<i64: 2, 16>, scalar_prefetch = 0 : i64, scratch_operands = 11 : i64, tpu.core_type = #tpu.core_type<sc_vector_subcore>, window_params = [{transform_indices = #map}, {transform_indices = #map1}, {transform_indices = #map1}, {transform_indices = #map1}]} {
    %mul3A = arith.constant 2 : i32
    %mul3A_0 = arith.muli %arg1, %mul3A : i32
    %add3A = arith.addi %mul3A_0, %arg0 : i32
    %mul3A_1 = arith.constant 128 : i32
    %mul3A_2 = arith.muli %add3A, %mul3A_1 : i32
    %dma_start3A = arith.constant 0 : i32
    %dma_start3A_3 = tpu.memref_slice %arg3[%dma_start3A, %mul3A_2] : memref<200x4096xi32, #tpu.memory_space<hbm>> -> memref<40x128xi32, #tpu.memory_space<hbm>>
    %dma_start3A_4 = arith.constant 0 : i32
    %dma_start3A_5 = tpu.memref_slice %arg3[%dma_start3A_4, %mul3A_2] : memref<200x4096xi32, #tpu.memory_space<hbm>> -> memref<40x128xi32, #tpu.memory_space<hbm>>
    tpu.enqueue_dma source(%dma_start3A_5 : memref<40x128xi32, #tpu.memory_space<hbm>>) target(%arg8 : memref<40x128xi32, #tpu.memory_space<vmem>>) target_semaphore(%arg13 : memref<!tpu.dma_semaphore, #tpu.memory_space<semaphore_mem>>)
    %dma_start3A_6 = arith.constant 40 : i32
    %dma_start3A_7 = tpu.memref_slice %arg3[%dma_start3A_6, %mul3A_2] : memref<200x4096xi32, #tpu.memory_space<hbm>> -> memref<40x128xi32, #tpu.memory_space<hbm>>
    %dma_start3A_8 = arith.constant 40 : i32
    %dma_start3A_9 = tpu.memref_slice %arg3[%dma_start3A_8, %mul3A_2] : memref<200x4096xi32, #tpu.memory_space<hbm>> -> memref<40x128xi32, #tpu.memory_space<hbm>>
    tpu.enqueue_dma source(%dma_start3A_9 : memref<40x128xi32, #tpu.memory_space<hbm>>) target(%arg9 : memref<40x128xi32, #tpu.memory_space<vmem>>) target_semaphore(%arg14 : memref<!tpu.dma_semaphore, #tpu.memory_space<semaphore_mem>>)
    "tpu.region"() ({
      %run_scoped3A = tpu.sem_alloc : memref<!tpu.dma_semaphore, #tpu.memory_space<semaphore_mem>>
      tpu.enqueue_dma source(%arg4 : memref<4x1001xf32, #tpu.memory_space<hbm>>) target(%arg6 : memref<4x1001xf32, #tpu.memory_space<vmem>>) target_semaphore(%run_scoped3A : memref<!tpu.dma_semaphore, #tpu.memory_space<semaphore_mem>>)
      tpu.wait_dma2 semaphore(%run_scoped3A : memref<!tpu.dma_semaphore, #tpu.memory_space<semaphore_mem>>) src(%arg4 : memref<4x1001xf32, #tpu.memory_space<hbm>>) dst(%arg6 : memref<4x1001xf32, #tpu.memory_space<vmem>>)
      tpu.yield
    }) : () -> ()
    "tpu.region"() ({
      %run_scoped3A = tpu.sem_alloc : memref<!tpu.dma_semaphore, #tpu.memory_space<semaphore_mem>>
      %dma_start3A_145 = tpu.memref_slice %arg2[%mul3A_2] : memref<4096xi32, #tpu.memory_space<hbm>> -> memref<128xi32, #tpu.memory_space<hbm>>
      %dma_start3A_146 = tpu.memref_slice %arg2[%mul3A_2] : memref<4096xi32, #tpu.memory_space<hbm>> -> memref<128xi32, #tpu.memory_space<hbm>>
      tpu.enqueue_dma source(%dma_start3A_146 : memref<128xi32, #tpu.memory_space<hbm>>) target(%arg7 : memref<128xi32, #tpu.memory_space<vmem>>) target_semaphore(%run_scoped3A : memref<!tpu.dma_semaphore, #tpu.memory_space<semaphore_mem>>)
      %dma_wait3A_147 = tpu.memref_slice %arg2[%mul3A_2] : memref<4096xi32, #tpu.memory_space<hbm>> -> memref<128xi32, #tpu.memory_space<hbm>>
      %dma_wait3A_148 = tpu.memref_slice %arg2[%mul3A_2] : memref<4096xi32, #tpu.memory_space<hbm>> -> memref<128xi32, #tpu.memory_space<hbm>>
      tpu.wait_dma2 semaphore(%run_scoped3A : memref<!tpu.dma_semaphore, #tpu.memory_space<semaphore_mem>>) src(%dma_wait3A_148 : memref<128xi32, #tpu.memory_space<hbm>>) dst(%arg7 : memref<128xi32, #tpu.memory_space<vmem>>)
      tpu.yield
    }) : () -> ()
    %iota3A = tpu.iota {dimensions = array<i32: 0>} : vector<16xi32>
    %parallel_loop3A = arith.constant 0 : i32
    %parallel_loop3A_10 = arith.constant 512 : i32
    %parallel_loop3A_11 = arith.constant 16 : i32
    scf.for %parallel_loop3A_145 = %parallel_loop3A to %parallel_loop3A_10 step %parallel_loop3A_11  : i32 {
      %parallel_loop3A_146 = tpu.assume_multiple %parallel_loop3A_145, 16 : i32
      %parallel_loop3A_147 = vector.broadcast %parallel_loop3A_145 : i32 to vector<16xi32>
      %parallel_loop3A_148 = arith.addi %parallel_loop3A_147, %iota3A : vector<16xi32>
      %parallel_loop3A_149 = arith.constant 2 : i32
      %parallel_loop3A_150 = vector.broadcast %parallel_loop3A_149 : i32 to vector<16xi32>
      %parallel_loop3A_151 = arith.shrui %parallel_loop3A_148, %parallel_loop3A_150 : vector<16xi32>
      %parallel_loop3A_152 = arith.constant 3 : i32
      %parallel_loop3A_153 = vector.broadcast %parallel_loop3A_152 : i32 to vector<16xi32>
      %parallel_loop3A_154 = arith.andi %parallel_loop3A_148, %parallel_loop3A_153 : vector<16xi32>
      %parallel_loop3A_155 = tpu.vector_load_idx %arg7[%parallel_loop3A_151] : memref<128xi32, #tpu.memory_space<vmem>>[vector<16xi32>], vector<16xi32>,
      %parallel_loop3A_156 = tpu.vector_load_idx %arg6[%parallel_loop3A_154, %parallel_loop3A_155] : memref<4x1001xf32, #tpu.memory_space<vmem>>[vector<16xi32>, vector<16xi32>], vector<16xf32>,
      %parallel_loop3A_157 = arith.index_cast %parallel_loop3A_146 : i32 to index
      %parallel_loop3A_158 = tpu.vector_load %arg10[%parallel_loop3A_157] {strides = array<i32>} : memref<512xf32, #tpu.memory_space<vmem>>, vector<16xf32>,
      tpu.vector_store %arg10[%parallel_loop3A_157], %parallel_loop3A_156 {strides = array<i32>} : memref<512xf32, #tpu.memory_space<vmem>>, vector<16xf32>,
    } {sc.loop_unroll_factor = 2 : i64, sc.parallel_access}
    %add3A_12 = arith.constant 0 : i32
    %add3A_13 = vector.broadcast %add3A_12 : i32 to vector<16xi32>
    %add3A_14 = arith.addi %add3A_13, %iota3A : vector<16xi32>
    %shift_left3A = arith.constant 2 : i32
    %shift_left3A_15 = vector.broadcast %shift_left3A : i32 to vector<16xi32>
    %shift_left3A_16 = arith.shli %add3A_14, %shift_left3A_15 : vector<16xi32>
    %add3A_17 = arith.constant 16 : i32
    %add3A_18 = vector.broadcast %add3A_17 : i32 to vector<16xi32>
    %add3A_19 = arith.addi %add3A_18, %iota3A : vector<16xi32>
    %shift_left3A_20 = arith.constant 2 : i32
    %shift_left3A_21 = vector.broadcast %shift_left3A_20 : i32 to vector<16xi32>
    %shift_left3A_22 = arith.shli %add3A_19, %shift_left3A_21 : vector<16xi32>
    %add3A_23 = arith.constant 32 : i32
    %add3A_24 = vector.broadcast %add3A_23 : i32 to vector<16xi32>
    %add3A_25 = arith.addi %add3A_24, %iota3A : vector<16xi32>
    %shift_left3A_26 = arith.constant 2 : i32
    %shift_left3A_27 = vector.broadcast %shift_left3A_26 : i32 to vector<16xi32>
    %shift_left3A_28 = arith.shli %add3A_25, %shift_left3A_27 : vector<16xi32>
    %add3A_29 = arith.constant 48 : i32
    %add3A_30 = vector.broadcast %add3A_29 : i32 to vector<16xi32>
    %add3A_31 = arith.addi %add3A_30, %iota3A : vector<16xi32>
    %shift_left3A_32 = arith.constant 2 : i32
    %shift_left3A_33 = vector.broadcast %shift_left3A_32 : i32 to vector<16xi32>
    %shift_left3A_34 = arith.shli %add3A_31, %shift_left3A_33 : vector<16xi32>
    %add3A_35 = arith.constant 64 : i32
    %add3A_36 = vector.broadcast %add3A_35 : i32 to vector<16xi32>
    %add3A_37 = arith.addi %add3A_36, %iota3A : vector<16xi32>
    %shift_left3A_38 = arith.constant 2 : i32
    %shift_left3A_39 = vector.broadcast %shift_left3A_38 : i32 to vector<16xi32>
    %shift_left3A_40 = arith.shli %add3A_37, %shift_left3A_39 : vector<16xi32>
    %add3A_41 = arith.constant 80 : i32
    %add3A_42 = vector.broadcast %add3A_41 : i32 to vector<16xi32>
    %add3A_43 = arith.addi %add3A_42, %iota3A : vector<16xi32>
    %shift_left3A_44 = arith.constant 2 : i32
    %shift_left3A_45 = vector.broadcast %shift_left3A_44 : i32 to vector<16xi32>
    %shift_left3A_46 = arith.shli %add3A_43, %shift_left3A_45 : vector<16xi32>
    %add3A_47 = arith.constant 96 : i32
    %add3A_48 = vector.broadcast %add3A_47 : i32 to vector<16xi32>
    %add3A_49 = arith.addi %add3A_48, %iota3A : vector<16xi32>
    %shift_left3A_50 = arith.constant 2 : i32
    %shift_left3A_51 = vector.broadcast %shift_left3A_50 : i32 to vector<16xi32>
    %shift_left3A_52 = arith.shli %add3A_49, %shift_left3A_51 : vector<16xi32>
    %add3A_53 = arith.constant 112 : i32
    %add3A_54 = vector.broadcast %add3A_53 : i32 to vector<16xi32>
    %add3A_55 = arith.addi %add3A_54, %iota3A : vector<16xi32>
    %shift_left3A_56 = arith.constant 2 : i32
    %shift_left3A_57 = vector.broadcast %shift_left3A_56 : i32 to vector<16xi32>
    %shift_left3A_58 = arith.shli %add3A_55, %shift_left3A_57 : vector<16xi32>
    %dma_wait3A = arith.constant 0 : i32
    %dma_wait3A_59 = tpu.memref_slice %arg3[%dma_wait3A, %mul3A_2] : memref<200x4096xi32, #tpu.memory_space<hbm>> -> memref<40x128xi32, #tpu.memory_space<hbm>>
    %dma_wait3A_60 = arith.constant 0 : i32
    %dma_wait3A_61 = tpu.memref_slice %arg3[%dma_wait3A_60, %mul3A_2] : memref<200x4096xi32, #tpu.memory_space<hbm>> -> memref<40x128xi32, #tpu.memory_space<hbm>>
    tpu.wait_dma2 semaphore(%arg13 : memref<!tpu.dma_semaphore, #tpu.memory_space<semaphore_mem>>) src(%dma_wait3A_61 : memref<40x128xi32, #tpu.memory_space<hbm>>) dst(%arg8 : memref<40x128xi32, #tpu.memory_space<vmem>>)
    %dma_start3A_62 = arith.constant 80 : i32
    %dma_start3A_63 = tpu.memref_slice %arg3[%dma_start3A_62, %mul3A_2] : memref<200x4096xi32, #tpu.memory_space<hbm>> -> memref<40x128xi32, #tpu.memory_space<hbm>>
    %dma_start3A_64 = arith.constant 80 : i32
    %dma_start3A_65 = tpu.memref_slice %arg3[%dma_start3A_64, %mul3A_2] : memref<200x4096xi32, #tpu.memory_space<hbm>> -> memref<40x128xi32, #tpu.memory_space<hbm>>
    tpu.enqueue_dma source(%dma_start3A_65 : memref<40x128xi32, #tpu.memory_space<hbm>>) target(%arg8 : memref<40x128xi32, #tpu.memory_space<vmem>>) target_semaphore(%arg13 : memref<!tpu.dma_semaphore, #tpu.memory_space<semaphore_mem>>)
    %parallel_loop3A_66 = arith.constant 0 : i32
    %parallel_loop3A_67 = arith.constant 40 : i32
    %parallel_loop3A_68 = arith.constant 1 : i32
    scf.for %parallel_loop3A_145 = %parallel_loop3A_66 to %parallel_loop3A_67 step %parallel_loop3A_68  : i32 {
      %parallel_loop3A_146 = arith.index_cast %parallel_loop3A_145 : i32 to index
      %parallel_loop3A_147 = arith.constant 0 : index
      %parallel_loop3A_148 = tpu.vector_load %arg8[%parallel_loop3A_146, %parallel_loop3A_147] {strides = array<i32>} : memref<40x128xi32, #tpu.memory_space<vmem>>, vector<16xi32>,
      %parallel_loop3A_149 = arith.addi %shift_left3A_16, %parallel_loop3A_148 : vector<16xi32>
      %parallel_loop3A_150 = tpu.vector_load_idx %arg10[%parallel_loop3A_149] : memref<512xf32, #tpu.memory_space<vmem>>[vector<16xi32>], vector<16xf32>,
      %parallel_loop3A_151 = arith.index_cast %parallel_loop3A_145 : i32 to index
      %parallel_loop3A_152 = arith.constant 0 : index
      %parallel_loop3A_153 = tpu.vector_load %arg11[%parallel_loop3A_151, %parallel_loop3A_152] {strides = array<i32>} : memref<40x128xf32, #tpu.memory_space<vmem>>, vector<16xf32>,
      tpu.vector_store %arg11[%parallel_loop3A_151, %parallel_loop3A_152], %parallel_loop3A_150 {strides = array<i32>} : memref<40x128xf32, #tpu.memory_space<vmem>>, vector<16xf32>,
      %parallel_loop3A_154 = arith.index_cast %parallel_loop3A_145 : i32 to index
      %parallel_loop3A_155 = arith.constant 16 : index
      %parallel_loop3A_156 = tpu.vector_load %arg8[%parallel_loop3A_154, %parallel_loop3A_155] {strides = array<i32>} : memref<40x128xi32, #tpu.memory_space<vmem>>, vector<16xi32>,
      %parallel_loop3A_157 = arith.addi %shift_left3A_22, %parallel_loop3A_156 : vector<16xi32>
      %parallel_loop3A_158 = tpu.vector_load_idx %arg10[%parallel_loop3A_157] : memref<512xf32, #tpu.memory_space<vmem>>[vector<16xi32>], vector<16xf32>,
      %parallel_loop3A_159 = arith.index_cast %parallel_loop3A_145 : i32 to index
      %parallel_loop3A_160 = arith.constant 16 : index
      %parallel_loop3A_161 = tpu.vector_load %arg11[%parallel_loop3A_159, %parallel_loop3A_160] {strides = array<i32>} : memref<40x128xf32, #tpu.memory_space<vmem>>, vector<16xf32>,
      tpu.vector_store %arg11[%parallel_loop3A_159, %parallel_loop3A_160], %parallel_loop3A_158 {strides = array<i32>} : memref<40x128xf32, #tpu.memory_space<vmem>>, vector<16xf32>,
      %parallel_loop3A_162 = arith.index_cast %parallel_loop3A_145 : i32 to index
      %parallel_loop3A_163 = arith.constant 32 : index
      %parallel_loop3A_164 = tpu.vector_load %arg8[%parallel_loop3A_162, %parallel_loop3A_163] {strides = array<i32>} : memref<40x128xi32, #tpu.memory_space<vmem>>, vector<16xi32>,
      %parallel_loop3A_165 = arith.addi %shift_left3A_28, %parallel_loop3A_164 : vector<16xi32>
      %parallel_loop3A_166 = tpu.vector_load_idx %arg10[%parallel_loop3A_165] : memref<512xf32, #tpu.memory_space<vmem>>[vector<16xi32>], vector<16xf32>,
      %parallel_loop3A_167 = arith.index_cast %parallel_loop3A_145 : i32 to index
      %parallel_loop3A_168 = arith.constant 32 : index
      %parallel_loop3A_169 = tpu.vector_load %arg11[%parallel_loop3A_167, %parallel_loop3A_168] {strides = array<i32>} : memref<40x128xf32, #tpu.memory_space<vmem>>, vector<16xf32>,
      tpu.vector_store %arg11[%parallel_loop3A_167, %parallel_loop3A_168], %parallel_loop3A_166 {strides = array<i32>} : memref<40x128xf32, #tpu.memory_space<vmem>>, vector<16xf32>,
      %parallel_loop3A_170 = arith.index_cast %parallel_loop3A_145 : i32 to index
      %parallel_loop3A_171 = arith.constant 48 : index
      %parallel_loop3A_172 = tpu.vector_load %arg8[%parallel_loop3A_170, %parallel_loop3A_171] {strides = array<i32>} : memref<40x128xi32, #tpu.memory_space<vmem>>, vector<16xi32>,
      %parallel_loop3A_173 = arith.addi %shift_left3A_34, %parallel_loop3A_172 : vector<16xi32>
      %parallel_loop3A_174 = tpu.vector_load_idx %arg10[%parallel_loop3A_173] : memref<512xf32, #tpu.memory_space<vmem>>[vector<16xi32>], vector<16xf32>,
      %parallel_loop3A_175 = arith.index_cast %parallel_loop3A_145 : i32 to index
      %parallel_loop3A_176 = arith.constant 48 : index
      %parallel_loop3A_177 = tpu.vector_load %arg11[%parallel_loop3A_175, %parallel_loop3A_176] {strides = array<i32>} : memref<40x128xf32, #tpu.memory_space<vmem>>, vector<16xf32>,
      tpu.vector_store %arg11[%parallel_loop3A_175, %parallel_loop3A_176], %parallel_loop3A_174 {strides = array<i32>} : memref<40x128xf32, #tpu.memory_space<vmem>>, vector<16xf32>,
      %parallel_loop3A_178 = arith.index_cast %parallel_loop3A_145 : i32 to index
      %parallel_loop3A_179 = arith.constant 64 : index
      %parallel_loop3A_180 = tpu.vector_load %arg8[%parallel_loop3A_178, %parallel_loop3A_179] {strides = array<i32>} : memref<40x128xi32, #tpu.memory_space<vmem>>, vector<16xi32>,
      %parallel_loop3A_181 = arith.addi %shift_left3A_40, %parallel_loop3A_180 : vector<16xi32>
      %parallel_loop3A_182 = tpu.vector_load_idx %arg10[%parallel_loop3A_181] : memref<512xf32, #tpu.memory_space<vmem>>[vector<16xi32>], vector<16xf32>,
      %parallel_loop3A_183 = arith.index_cast %parallel_loop3A_145 : i32 to index
      %parallel_loop3A_184 = arith.constant 64 : index
      %parallel_loop3A_185 = tpu.vector_load %arg11[%parallel_loop3A_183, %parallel_loop3A_184] {strides = array<i32>} : memref<40x128xf32, #tpu.memory_space<vmem>>, vector<16xf32>,
      tpu.vector_store %arg11[%parallel_loop3A_183, %parallel_loop3A_184], %parallel_loop3A_182 {strides = array<i32>} : memref<40x128xf32, #tpu.memory_space<vmem>>, vector<16xf32>,
      %parallel_loop3A_186 = arith.index_cast %parallel_loop3A_145 : i32 to index
      %parallel_loop3A_187 = arith.constant 80 : index
      %parallel_loop3A_188 = tpu.vector_load %arg8[%parallel_loop3A_186, %parallel_loop3A_187] {strides = array<i32>} : memref<40x128xi32, #tpu.memory_space<vmem>>, vector<16xi32>,
      %parallel_loop3A_189 = arith.addi %shift_left3A_46, %parallel_loop3A_188 : vector<16xi32>
      %parallel_loop3A_190 = tpu.vector_load_idx %arg10[%parallel_loop3A_189] : memref<512xf32, #tpu.memory_space<vmem>>[vector<16xi32>], vector<16xf32>,
      %parallel_loop3A_191 = arith.index_cast %parallel_loop3A_145 : i32 to index
      %parallel_loop3A_192 = arith.constant 80 : index
      %parallel_loop3A_193 = tpu.vector_load %arg11[%parallel_loop3A_191, %parallel_loop3A_192] {strides = array<i32>} : memref<40x128xf32, #tpu.memory_space<vmem>>, vector<16xf32>,
      tpu.vector_store %arg11[%parallel_loop3A_191, %parallel_loop3A_192], %parallel_loop3A_190 {strides = array<i32>} : memref<40x128xf32, #tpu.memory_space<vmem>>, vector<16xf32>,
      %parallel_loop3A_194 = arith.index_cast %parallel_loop3A_145 : i32 to index
      %parallel_loop3A_195 = arith.constant 96 : index
      %parallel_loop3A_196 = tpu.vector_load %arg8[%parallel_loop3A_194, %parallel_loop3A_195] {strides = array<i32>} : memref<40x128xi32, #tpu.memory_space<vmem>>, vector<16xi32>,
      %parallel_loop3A_197 = arith.addi %shift_left3A_52, %parallel_loop3A_196 : vector<16xi32>
      %parallel_loop3A_198 = tpu.vector_load_idx %arg10[%parallel_loop3A_197] : memref<512xf32, #tpu.memory_space<vmem>>[vector<16xi32>], vector<16xf32>,
      %parallel_loop3A_199 = arith.index_cast %parallel_loop3A_145 : i32 to index
      %parallel_loop3A_200 = arith.constant 96 : index
      %parallel_loop3A_201 = tpu.vector_load %arg11[%parallel_loop3A_199, %parallel_loop3A_200] {strides = array<i32>} : memref<40x128xf32, #tpu.memory_space<vmem>>, vector<16xf32>,
      tpu.vector_store %arg11[%parallel_loop3A_199, %parallel_loop3A_200], %parallel_loop3A_198 {strides = array<i32>} : memref<40x128xf32, #tpu.memory_space<vmem>>, vector<16xf32>,
      %parallel_loop3A_202 = arith.index_cast %parallel_loop3A_145 : i32 to index
      %parallel_loop3A_203 = arith.constant 112 : index
      %parallel_loop3A_204 = tpu.vector_load %arg8[%parallel_loop3A_202, %parallel_loop3A_203] {strides = array<i32>} : memref<40x128xi32, #tpu.memory_space<vmem>>, vector<16xi32>,
      %parallel_loop3A_205 = arith.addi %shift_left3A_58, %parallel_loop3A_204 : vector<16xi32>
      %parallel_loop3A_206 = tpu.vector_load_idx %arg10[%parallel_loop3A_205] : memref<512xf32, #tpu.memory_space<vmem>>[vector<16xi32>], vector<16xf32>,
      %parallel_loop3A_207 = arith.index_cast %parallel_loop3A_145 : i32 to index
      %parallel_loop3A_208 = arith.constant 112 : index
      %parallel_loop3A_209 = tpu.vector_load %arg11[%parallel_loop3A_207, %parallel_loop3A_208] {strides = array<i32>} : memref<40x128xf32, #tpu.memory_space<vmem>>, vector<16xf32>,
      tpu.vector_store %arg11[%parallel_loop3A_207, %parallel_loop3A_208], %parallel_loop3A_206 {strides = array<i32>} : memref<40x128xf32, #tpu.memory_space<vmem>>, vector<16xf32>,
    } {sc.loop_unroll_factor = 1 : i64, sc.parallel_access}
    %dma_start3A_69 = arith.constant 0 : i32
    %dma_start3A_70 = tpu.memref_slice %arg5[%dma_start3A_69, %mul3A_2] : memref<200x4096xf32, #tpu.memory_space<hbm>> -> memref<40x128xf32, #tpu.memory_space<hbm>>
    %dma_start3A_71 = arith.constant 0 : i32
    %dma_start3A_72 = tpu.memref_slice %arg5[%dma_start3A_71, %mul3A_2] : memref<200x4096xf32, #tpu.memory_space<hbm>> -> memref<40x128xf32, #tpu.memory_space<hbm>>
    tpu.enqueue_dma source(%arg11 : memref<40x128xf32, #tpu.memory_space<vmem>>) target(%dma_start3A_72 : memref<40x128xf32, #tpu.memory_space<hbm>>) target_semaphore(%arg15 : memref<!tpu.dma_semaphore, #tpu.memory_space<semaphore_mem>>)
    %dma_wait3A_73 = arith.constant 40 : i32
    %dma_wait3A_74 = tpu.memref_slice %arg3[%dma_wait3A_73, %mul3A_2] : memref<200x4096xi32, #tpu.memory_space<hbm>> -> memref<40x128xi32, #tpu.memory_space<hbm>>
    %dma_wait3A_75 = arith.constant 40 : i32
    %dma_wait3A_76 = tpu.memref_slice %arg3[%dma_wait3A_75, %mul3A_2] : memref<200x4096xi32, #tpu.memory_space<hbm>> -> memref<40x128xi32, #tpu.memory_space<hbm>>
    tpu.wait_dma2 semaphore(%arg14 : memref<!tpu.dma_semaphore, #tpu.memory_space<semaphore_mem>>) src(%dma_wait3A_76 : memref<40x128xi32, #tpu.memory_space<hbm>>) dst(%arg9 : memref<40x128xi32, #tpu.memory_space<vmem>>)
    %dma_start3A_77 = arith.constant 120 : i32
    %dma_start3A_78 = tpu.memref_slice %arg3[%dma_start3A_77, %mul3A_2] : memref<200x4096xi32, #tpu.memory_space<hbm>> -> memref<40x128xi32, #tpu.memory_space<hbm>>
    %dma_start3A_79 = arith.constant 120 : i32
    %dma_start3A_80 = tpu.memref_slice %arg3[%dma_start3A_79, %mul3A_2] : memref<200x4096xi32, #tpu.memory_space<hbm>> -> memref<40x128xi32, #tpu.memory_space<hbm>>
    tpu.enqueue_dma source(%dma_start3A_80 : memref<40x128xi32, #tpu.memory_space<hbm>>) target(%arg9 : memref<40x128xi32, #tpu.memory_space<vmem>>) target_semaphore(%arg14 : memref<!tpu.dma_semaphore, #tpu.memory_space<semaphore_mem>>)
    %parallel_loop3A_81 = arith.constant 0 : i32
    %parallel_loop3A_82 = arith.constant 40 : i32
    %parallel_loop3A_83 = arith.constant 1 : i32
    scf.for %parallel_loop3A_145 = %parallel_loop3A_81 to %parallel_loop3A_82 step %parallel_loop3A_83  : i32 {
      %parallel_loop3A_146 = arith.index_cast %parallel_loop3A_145 : i32 to index
      %parallel_loop3A_147 = arith.constant 0 : index
      %parallel_loop3A_148 = tpu.vector_load %arg9[%parallel_loop3A_146, %parallel_loop3A_147] {strides = array<i32>} : memref<40x128xi32, #tpu.memory_space<vmem>>, vector<16xi32>,
      %parallel_loop3A_149 = arith.addi %shift_left3A_16, %parallel_loop3A_148 : vector<16xi32>
      %parallel_loop3A_150 = tpu.vector_load_idx %arg10[%parallel_loop3A_149] : memref<512xf32, #tpu.memory_space<vmem>>[vector<16xi32>], vector<16xf32>,
      %parallel_loop3A_151 = arith.index_cast %parallel_loop3A_145 : i32 to index
      %parallel_loop3A_152 = arith.constant 0 : index
      %parallel_loop3A_153 = tpu.vector_load %arg12[%parallel_loop3A_151, %parallel_loop3A_152] {strides = array<i32>} : memref<40x128xf32, #tpu.memory_space<vmem>>, vector<16xf32>,
      tpu.vector_store %arg12[%parallel_loop3A_151, %parallel_loop3A_152], %parallel_loop3A_150 {strides = array<i32>} : memref<40x128xf32, #tpu.memory_space<vmem>>, vector<16xf32>,
      %parallel_loop3A_154 = arith.index_cast %parallel_loop3A_145 : i32 to index
      %parallel_loop3A_155 = arith.constant 16 : index
      %parallel_loop3A_156 = tpu.vector_load %arg9[%parallel_loop3A_154, %parallel_loop3A_155] {strides = array<i32>} : memref<40x128xi32, #tpu.memory_space<vmem>>, vector<16xi32>,
      %parallel_loop3A_157 = arith.addi %shift_left3A_22, %parallel_loop3A_156 : vector<16xi32>
      %parallel_loop3A_158 = tpu.vector_load_idx %arg10[%parallel_loop3A_157] : memref<512xf32, #tpu.memory_space<vmem>>[vector<16xi32>], vector<16xf32>,
      %parallel_loop3A_159 = arith.index_cast %parallel_loop3A_145 : i32 to index
      %parallel_loop3A_160 = arith.constant 16 : index
      %parallel_loop3A_161 = tpu.vector_load %arg12[%parallel_loop3A_159, %parallel_loop3A_160] {strides = array<i32>} : memref<40x128xf32, #tpu.memory_space<vmem>>, vector<16xf32>,
      tpu.vector_store %arg12[%parallel_loop3A_159, %parallel_loop3A_160], %parallel_loop3A_158 {strides = array<i32>} : memref<40x128xf32, #tpu.memory_space<vmem>>, vector<16xf32>,
      %parallel_loop3A_162 = arith.index_cast %parallel_loop3A_145 : i32 to index
      %parallel_loop3A_163 = arith.constant 32 : index
      %parallel_loop3A_164 = tpu.vector_load %arg9[%parallel_loop3A_162, %parallel_loop3A_163] {strides = array<i32>} : memref<40x128xi32, #tpu.memory_space<vmem>>, vector<16xi32>,
      %parallel_loop3A_165 = arith.addi %shift_left3A_28, %parallel_loop3A_164 : vector<16xi32>
      %parallel_loop3A_166 = tpu.vector_load_idx %arg10[%parallel_loop3A_165] : memref<512xf32, #tpu.memory_space<vmem>>[vector<16xi32>], vector<16xf32>,
      %parallel_loop3A_167 = arith.index_cast %parallel_loop3A_145 : i32 to index
      %parallel_loop3A_168 = arith.constant 32 : index
      %parallel_loop3A_169 = tpu.vector_load %arg12[%parallel_loop3A_167, %parallel_loop3A_168] {strides = array<i32>} : memref<40x128xf32, #tpu.memory_space<vmem>>, vector<16xf32>,
      tpu.vector_store %arg12[%parallel_loop3A_167, %parallel_loop3A_168], %parallel_loop3A_166 {strides = array<i32>} : memref<40x128xf32, #tpu.memory_space<vmem>>, vector<16xf32>,
      %parallel_loop3A_170 = arith.index_cast %parallel_loop3A_145 : i32 to index
      %parallel_loop3A_171 = arith.constant 48 : index
      %parallel_loop3A_172 = tpu.vector_load %arg9[%parallel_loop3A_170, %parallel_loop3A_171] {strides = array<i32>} : memref<40x128xi32, #tpu.memory_space<vmem>>, vector<16xi32>,
      %parallel_loop3A_173 = arith.addi %shift_left3A_34, %parallel_loop3A_172 : vector<16xi32>
      %parallel_loop3A_174 = tpu.vector_load_idx %arg10[%parallel_loop3A_173] : memref<512xf32, #tpu.memory_space<vmem>>[vector<16xi32>], vector<16xf32>,
      %parallel_loop3A_175 = arith.index_cast %parallel_loop3A_145 : i32 to index
      %parallel_loop3A_176 = arith.constant 48 : index
      %parallel_loop3A_177 = tpu.vector_load %arg12[%parallel_loop3A_175, %parallel_loop3A_176] {strides = array<i32>} : memref<40x128xf32, #tpu.memory_space<vmem>>, vector<16xf32>,
      tpu.vector_store %arg12[%parallel_loop3A_175, %parallel_loop3A_176], %parallel_loop3A_174 {strides = array<i32>} : memref<40x128xf32, #tpu.memory_space<vmem>>, vector<16xf32>,
      %parallel_loop3A_178 = arith.index_cast %parallel_loop3A_145 : i32 to index
      %parallel_loop3A_179 = arith.constant 64 : index
      %parallel_loop3A_180 = tpu.vector_load %arg9[%parallel_loop3A_178, %parallel_loop3A_179] {strides = array<i32>} : memref<40x128xi32, #tpu.memory_space<vmem>>, vector<16xi32>,
      %parallel_loop3A_181 = arith.addi %shift_left3A_40, %parallel_loop3A_180 : vector<16xi32>
      %parallel_loop3A_182 = tpu.vector_load_idx %arg10[%parallel_loop3A_181] : memref<512xf32, #tpu.memory_space<vmem>>[vector<16xi32>], vector<16xf32>,
      %parallel_loop3A_183 = arith.index_cast %parallel_loop3A_145 : i32 to index
      %parallel_loop3A_184 = arith.constant 64 : index
      %parallel_loop3A_185 = tpu.vector_load %arg12[%parallel_loop3A_183, %parallel_loop3A_184] {strides = array<i32>} : memref<40x128xf32, #tpu.memory_space<vmem>>, vector<16xf32>,
      tpu.vector_store %arg12[%parallel_loop3A_183, %parallel_loop3A_184], %parallel_loop3A_182 {strides = array<i32>} : memref<40x128xf32, #tpu.memory_space<vmem>>, vector<16xf32>,
      %parallel_loop3A_186 = arith.index_cast %parallel_loop3A_145 : i32 to index
      %parallel_loop3A_187 = arith.constant 80 : index
      %parallel_loop3A_188 = tpu.vector_load %arg9[%parallel_loop3A_186, %parallel_loop3A_187] {strides = array<i32>} : memref<40x128xi32, #tpu.memory_space<vmem>>, vector<16xi32>,
      %parallel_loop3A_189 = arith.addi %shift_left3A_46, %parallel_loop3A_188 : vector<16xi32>
      %parallel_loop3A_190 = tpu.vector_load_idx %arg10[%parallel_loop3A_189] : memref<512xf32, #tpu.memory_space<vmem>>[vector<16xi32>], vector<16xf32>,
      %parallel_loop3A_191 = arith.index_cast %parallel_loop3A_145 : i32 to index
      %parallel_loop3A_192 = arith.constant 80 : index
      %parallel_loop3A_193 = tpu.vector_load %arg12[%parallel_loop3A_191, %parallel_loop3A_192] {strides = array<i32>} : memref<40x128xf32, #tpu.memory_space<vmem>>, vector<16xf32>,
      tpu.vector_store %arg12[%parallel_loop3A_191, %parallel_loop3A_192], %parallel_loop3A_190 {strides = array<i32>} : memref<40x128xf32, #tpu.memory_space<vmem>>, vector<16xf32>,
      %parallel_loop3A_194 = arith.index_cast %parallel_loop3A_145 : i32 to index
      %parallel_loop3A_195 = arith.constant 96 : index
      %parallel_loop3A_196 = tpu.vector_load %arg9[%parallel_loop3A_194, %parallel_loop3A_195] {strides = array<i32>} : memref<40x128xi32, #tpu.memory_space<vmem>>, vector<16xi32>,
      %parallel_loop3A_197 = arith.addi %shift_left3A_52, %parallel_loop3A_196 : vector<16xi32>
      %parallel_loop3A_198 = tpu.vector_load_idx %arg10[%parallel_loop3A_197] : memref<512xf32, #tpu.memory_space<vmem>>[vector<16xi32>], vector<16xf32>,
      %parallel_loop3A_199 = arith.index_cast %parallel_loop3A_145 : i32 to index
      %parallel_loop3A_200 = arith.constant 96 : index
      %parallel_loop3A_201 = tpu.vector_load %arg12[%parallel_loop3A_199, %parallel_loop3A_200] {strides = array<i32>} : memref<40x128xf32, #tpu.memory_space<vmem>>, vector<16xf32>,
      tpu.vector_store %arg12[%parallel_loop3A_199, %parallel_loop3A_200], %parallel_loop3A_198 {strides = array<i32>} : memref<40x128xf32, #tpu.memory_space<vmem>>, vector<16xf32>,
      %parallel_loop3A_202 = arith.index_cast %parallel_loop3A_145 : i32 to index
      %parallel_loop3A_203 = arith.constant 112 : index
      %parallel_loop3A_204 = tpu.vector_load %arg9[%parallel_loop3A_202, %parallel_loop3A_203] {strides = array<i32>} : memref<40x128xi32, #tpu.memory_space<vmem>>, vector<16xi32>,
      %parallel_loop3A_205 = arith.addi %shift_left3A_58, %parallel_loop3A_204 : vector<16xi32>
      %parallel_loop3A_206 = tpu.vector_load_idx %arg10[%parallel_loop3A_205] : memref<512xf32, #tpu.memory_space<vmem>>[vector<16xi32>], vector<16xf32>,
      %parallel_loop3A_207 = arith.index_cast %parallel_loop3A_145 : i32 to index
      %parallel_loop3A_208 = arith.constant 112 : index
      %parallel_loop3A_209 = tpu.vector_load %arg12[%parallel_loop3A_207, %parallel_loop3A_208] {strides = array<i32>} : memref<40x128xf32, #tpu.memory_space<vmem>>, vector<16xf32>,
      tpu.vector_store %arg12[%parallel_loop3A_207, %parallel_loop3A_208], %parallel_loop3A_206 {strides = array<i32>} : memref<40x128xf32, #tpu.memory_space<vmem>>, vector<16xf32>,
    } {sc.loop_unroll_factor = 1 : i64, sc.parallel_access}
    %dma_start3A_84 = arith.constant 40 : i32
    %dma_start3A_85 = tpu.memref_slice %arg5[%dma_start3A_84, %mul3A_2] : memref<200x4096xf32, #tpu.memory_space<hbm>> -> memref<40x128xf32, #tpu.memory_space<hbm>>
    %dma_start3A_86 = arith.constant 40 : i32
    %dma_start3A_87 = tpu.memref_slice %arg5[%dma_start3A_86, %mul3A_2] : memref<200x4096xf32, #tpu.memory_space<hbm>> -> memref<40x128xf32, #tpu.memory_space<hbm>>
    tpu.enqueue_dma source(%arg12 : memref<40x128xf32, #tpu.memory_space<vmem>>) target(%dma_start3A_87 : memref<40x128xf32, #tpu.memory_space<hbm>>) target_semaphore(%arg16 : memref<!tpu.dma_semaphore, #tpu.memory_space<semaphore_mem>>)
    %dma_wait3A_88 = arith.constant 80 : i32
    %dma_wait3A_89 = tpu.memref_slice %arg3[%dma_wait3A_88, %mul3A_2] : memref<200x4096xi32, #tpu.memory_space<hbm>> -> memref<40x128xi32, #tpu.memory_space<hbm>>
    %dma_wait3A_90 = arith.constant 80 : i32
    %dma_wait3A_91 = tpu.memref_slice %arg3[%dma_wait3A_90, %mul3A_2] : memref<200x4096xi32, #tpu.memory_space<hbm>> -> memref<40x128xi32, #tpu.memory_space<hbm>>
    tpu.wait_dma2 semaphore(%arg13 : memref<!tpu.dma_semaphore, #tpu.memory_space<semaphore_mem>>) src(%dma_wait3A_91 : memref<40x128xi32, #tpu.memory_space<hbm>>) dst(%arg8 : memref<40x128xi32, #tpu.memory_space<vmem>>)
    %dma_start3A_92 = arith.constant 160 : i32
    %dma_start3A_93 = tpu.memref_slice %arg3[%dma_start3A_92, %mul3A_2] : memref<200x4096xi32, #tpu.memory_space<hbm>> -> memref<40x128xi32, #tpu.memory_space<hbm>>
    %dma_start3A_94 = arith.constant 160 : i32
    %dma_start3A_95 = tpu.memref_slice %arg3[%dma_start3A_94, %mul3A_2] : memref<200x4096xi32, #tpu.memory_space<hbm>> -> memref<40x128xi32, #tpu.memory_space<hbm>>
    tpu.enqueue_dma source(%dma_start3A_95 : memref<40x128xi32, #tpu.memory_space<hbm>>) target(%arg8 : memref<40x128xi32, #tpu.memory_space<vmem>>) target_semaphore(%arg13 : memref<!tpu.dma_semaphore, #tpu.memory_space<semaphore_mem>>)
    %dma_wait3A_96 = arith.constant 0 : i32
    %dma_wait3A_97 = tpu.memref_slice %arg5[%dma_wait3A_96, %mul3A_2] : memref<200x4096xf32, #tpu.memory_space<hbm>> -> memref<40x128xf32, #tpu.memory_space<hbm>>
    %dma_wait3A_98 = arith.constant 0 : i32
    %dma_wait3A_99 = tpu.memref_slice %arg5[%dma_wait3A_98, %mul3A_2] : memref<200x4096xf32, #tpu.memory_space<hbm>> -> memref<40x128xf32, #tpu.memory_space<hbm>>
    tpu.wait_dma2 semaphore(%arg15 : memref<!tpu.dma_semaphore, #tpu.memory_space<semaphore_mem>>) src(%arg11 : memref<40x128xf32, #tpu.memory_space<vmem>>) dst(%dma_wait3A_99 : memref<40x128xf32, #tpu.memory_space<hbm>>)
    %parallel_loop3A_100 = arith.constant 0 : i32
    %parallel_loop3A_101 = arith.constant 40 : i32
    %parallel_loop3A_102 = arith.constant 1 : i32
    scf.for %parallel_loop3A_145 = %parallel_loop3A_100 to %parallel_loop3A_101 step %parallel_loop3A_102  : i32 {
      %parallel_loop3A_146 = arith.index_cast %parallel_loop3A_145 : i32 to index
      %parallel_loop3A_147 = arith.constant 0 : index
      %parallel_loop3A_148 = tpu.vector_load %arg8[%parallel_loop3A_146, %parallel_loop3A_147] {strides = array<i32>} : memref<40x128xi32, #tpu.memory_space<vmem>>, vector<16xi32>,
      %parallel_loop3A_149 = arith.addi %shift_left3A_16, %parallel_loop3A_148 : vector<16xi32>
      %parallel_loop3A_150 = tpu.vector_load_idx %arg10[%parallel_loop3A_149] : memref<512xf32, #tpu.memory_space<vmem>>[vector<16xi32>], vector<16xf32>,
      %parallel_loop3A_151 = arith.index_cast %parallel_loop3A_145 : i32 to index
      %parallel_loop3A_152 = arith.constant 0 : index
      %parallel_loop3A_153 = tpu.vector_load %arg11[%parallel_loop3A_151, %parallel_loop3A_152] {strides = array<i32>} : memref<40x128xf32, #tpu.memory_space<vmem>>, vector<16xf32>,
      tpu.vector_store %arg11[%parallel_loop3A_151, %parallel_loop3A_152], %parallel_loop3A_150 {strides = array<i32>} : memref<40x128xf32, #tpu.memory_space<vmem>>, vector<16xf32>,
      %parallel_loop3A_154 = arith.index_cast %parallel_loop3A_145 : i32 to index
      %parallel_loop3A_155 = arith.constant 16 : index
      %parallel_loop3A_156 = tpu.vector_load %arg8[%parallel_loop3A_154, %parallel_loop3A_155] {strides = array<i32>} : memref<40x128xi32, #tpu.memory_space<vmem>>, vector<16xi32>,
      %parallel_loop3A_157 = arith.addi %shift_left3A_22, %parallel_loop3A_156 : vector<16xi32>
      %parallel_loop3A_158 = tpu.vector_load_idx %arg10[%parallel_loop3A_157] : memref<512xf32, #tpu.memory_space<vmem>>[vector<16xi32>], vector<16xf32>,
      %parallel_loop3A_159 = arith.index_cast %parallel_loop3A_145 : i32 to index
      %parallel_loop3A_160 = arith.constant 16 : index
      %parallel_loop3A_161 = tpu.vector_load %arg11[%parallel_loop3A_159, %parallel_loop3A_160] {strides = array<i32>} : memref<40x128xf32, #tpu.memory_space<vmem>>, vector<16xf32>,
      tpu.vector_store %arg11[%parallel_loop3A_159, %parallel_loop3A_160], %parallel_loop3A_158 {strides = array<i32>} : memref<40x128xf32, #tpu.memory_space<vmem>>, vector<16xf32>,
      %parallel_loop3A_162 = arith.index_cast %parallel_loop3A_145 : i32 to index
      %parallel_loop3A_163 = arith.constant 32 : index
      %parallel_loop3A_164 = tpu.vector_load %arg8[%parallel_loop3A_162, %parallel_loop3A_163] {strides = array<i32>} : memref<40x128xi32, #tpu.memory_space<vmem>>, vector<16xi32>,
      %parallel_loop3A_165 = arith.addi %shift_left3A_28, %parallel_loop3A_164 : vector<16xi32>
      %parallel_loop3A_166 = tpu.vector_load_idx %arg10[%parallel_loop3A_165] : memref<512xf32, #tpu.memory_space<vmem>>[vector<16xi32>], vector<16xf32>,
      %parallel_loop3A_167 = arith.index_cast %parallel_loop3A_145 : i32 to index
      %parallel_loop3A_168 = arith.constant 32 : index
      %parallel_loop3A_169 = tpu.vector_load %arg11[%parallel_loop3A_167, %parallel_loop3A_168] {strides = array<i32>} : memref<40x128xf32, #tpu.memory_space<vmem>>, vector<16xf32>,
      tpu.vector_store %arg11[%parallel_loop3A_167, %parallel_loop3A_168], %parallel_loop3A_166 {strides = array<i32>} : memref<40x128xf32, #tpu.memory_space<vmem>>, vector<16xf32>,
      %parallel_loop3A_170 = arith.index_cast %parallel_loop3A_145 : i32 to index
      %parallel_loop3A_171 = arith.constant 48 : index
      %parallel_loop3A_172 = tpu.vector_load %arg8[%parallel_loop3A_170, %parallel_loop3A_171] {strides = array<i32>} : memref<40x128xi32, #tpu.memory_space<vmem>>, vector<16xi32>,
      %parallel_loop3A_173 = arith.addi %shift_left3A_34, %parallel_loop3A_172 : vector<16xi32>
      %parallel_loop3A_174 = tpu.vector_load_idx %arg10[%parallel_loop3A_173] : memref<512xf32, #tpu.memory_space<vmem>>[vector<16xi32>], vector<16xf32>,
      %parallel_loop3A_175 = arith.index_cast %parallel_loop3A_145 : i32 to index
      %parallel_loop3A_176 = arith.constant 48 : index
      %parallel_loop3A_177 = tpu.vector_load %arg11[%parallel_loop3A_175, %parallel_loop3A_176] {strides = array<i32>} : memref<40x128xf32, #tpu.memory_space<vmem>>, vector<16xf32>,
      tpu.vector_store %arg11[%parallel_loop3A_175, %parallel_loop3A_176], %parallel_loop3A_174 {strides = array<i32>} : memref<40x128xf32, #tpu.memory_space<vmem>>, vector<16xf32>,
      %parallel_loop3A_178 = arith.index_cast %parallel_loop3A_145 : i32 to index
      %parallel_loop3A_179 = arith.constant 64 : index
      %parallel_loop3A_180 = tpu.vector_load %arg8[%parallel_loop3A_178, %parallel_loop3A_179] {strides = array<i32>} : memref<40x128xi32, #tpu.memory_space<vmem>>, vector<16xi32>,
      %parallel_loop3A_181 = arith.addi %shift_left3A_40, %parallel_loop3A_180 : vector<16xi32>
      %parallel_loop3A_182 = tpu.vector_load_idx %arg10[%parallel_loop3A_181] : memref<512xf32, #tpu.memory_space<vmem>>[vector<16xi32>], vector<16xf32>,
      %parallel_loop3A_183 = arith.index_cast %parallel_loop3A_145 : i32 to index
      %parallel_loop3A_184 = arith.constant 64 : index
      %parallel_loop3A_185 = tpu.vector_load %arg11[%parallel_loop3A_183, %parallel_loop3A_184] {strides = array<i32>} : memref<40x128xf32, #tpu.memory_space<vmem>>, vector<16xf32>,
      tpu.vector_store %arg11[%parallel_loop3A_183, %parallel_loop3A_184], %parallel_loop3A_182 {strides = array<i32>} : memref<40x128xf32, #tpu.memory_space<vmem>>, vector<16xf32>,
      %parallel_loop3A_186 = arith.index_cast %parallel_loop3A_145 : i32 to index
      %parallel_loop3A_187 = arith.constant 80 : index
      %parallel_loop3A_188 = tpu.vector_load %arg8[%parallel_loop3A_186, %parallel_loop3A_187] {strides = array<i32>} : memref<40x128xi32, #tpu.memory_space<vmem>>, vector<16xi32>,
      %parallel_loop3A_189 = arith.addi %shift_left3A_46, %parallel_loop3A_188 : vector<16xi32>
      %parallel_loop3A_190 = tpu.vector_load_idx %arg10[%parallel_loop3A_189] : memref<512xf32, #tpu.memory_space<vmem>>[vector<16xi32>], vector<16xf32>,
      %parallel_loop3A_191 = arith.index_cast %parallel_loop3A_145 : i32 to index
      %parallel_loop3A_192 = arith.constant 80 : index
      %parallel_loop3A_193 = tpu.vector_load %arg11[%parallel_loop3A_191, %parallel_loop3A_192] {strides = array<i32>} : memref<40x128xf32, #tpu.memory_space<vmem>>, vector<16xf32>,
      tpu.vector_store %arg11[%parallel_loop3A_191, %parallel_loop3A_192], %parallel_loop3A_190 {strides = array<i32>} : memref<40x128xf32, #tpu.memory_space<vmem>>, vector<16xf32>,
      %parallel_loop3A_194 = arith.index_cast %parallel_loop3A_145 : i32 to index
      %parallel_loop3A_195 = arith.constant 96 : index
      %parallel_loop3A_196 = tpu.vector_load %arg8[%parallel_loop3A_194, %parallel_loop3A_195] {strides = array<i32>} : memref<40x128xi32, #tpu.memory_space<vmem>>, vector<16xi32>,
      %parallel_loop3A_197 = arith.addi %shift_left3A_52, %parallel_loop3A_196 : vector<16xi32>
      %parallel_loop3A_198 = tpu.vector_load_idx %arg10[%parallel_loop3A_197] : memref<512xf32, #tpu.memory_space<vmem>>[vector<16xi32>], vector<16xf32>,
      %parallel_loop3A_199 = arith.index_cast %parallel_loop3A_145 : i32 to index
      %parallel_loop3A_200 = arith.constant 96 : index
      %parallel_loop3A_201 = tpu.vector_load %arg11[%parallel_loop3A_199, %parallel_loop3A_200] {strides = array<i32>} : memref<40x128xf32, #tpu.memory_space<vmem>>, vector<16xf32>,
      tpu.vector_store %arg11[%parallel_loop3A_199, %parallel_loop3A_200], %parallel_loop3A_198 {strides = array<i32>} : memref<40x128xf32, #tpu.memory_space<vmem>>, vector<16xf32>,
      %parallel_loop3A_202 = arith.index_cast %parallel_loop3A_145 : i32 to index
      %parallel_loop3A_203 = arith.constant 112 : index
      %parallel_loop3A_204 = tpu.vector_load %arg8[%parallel_loop3A_202, %parallel_loop3A_203] {strides = array<i32>} : memref<40x128xi32, #tpu.memory_space<vmem>>, vector<16xi32>,
      %parallel_loop3A_205 = arith.addi %shift_left3A_58, %parallel_loop3A_204 : vector<16xi32>
      %parallel_loop3A_206 = tpu.vector_load_idx %arg10[%parallel_loop3A_205] : memref<512xf32, #tpu.memory_space<vmem>>[vector<16xi32>], vector<16xf32>,
      %parallel_loop3A_207 = arith.index_cast %parallel_loop3A_145 : i32 to index
      %parallel_loop3A_208 = arith.constant 112 : index
      %parallel_loop3A_209 = tpu.vector_load %arg11[%parallel_loop3A_207, %parallel_loop3A_208] {strides = array<i32>} : memref<40x128xf32, #tpu.memory_space<vmem>>, vector<16xf32>,
      tpu.vector_store %arg11[%parallel_loop3A_207, %parallel_loop3A_208], %parallel_loop3A_206 {strides = array<i32>} : memref<40x128xf32, #tpu.memory_space<vmem>>, vector<16xf32>,
    } {sc.loop_unroll_factor = 1 : i64, sc.parallel_access}
    %dma_start3A_103 = arith.constant 80 : i32
    %dma_start3A_104 = tpu.memref_slice %arg5[%dma_start3A_103, %mul3A_2] : memref<200x4096xf32, #tpu.memory_space<hbm>> -> memref<40x128xf32, #tpu.memory_space<hbm>>
    %dma_start3A_105 = arith.constant 80 : i32
    %dma_start3A_106 = tpu.memref_slice %arg5[%dma_start3A_105, %mul3A_2] : memref<200x4096xf32, #tpu.memory_space<hbm>> -> memref<40x128xf32, #tpu.memory_space<hbm>>
    tpu.enqueue_dma source(%arg11 : memref<40x128xf32, #tpu.memory_space<vmem>>) target(%dma_start3A_106 : memref<40x128xf32, #tpu.memory_space<hbm>>) target_semaphore(%arg15 : memref<!tpu.dma_semaphore, #tpu.memory_space<semaphore_mem>>)
    %dma_wait3A_107 = arith.constant 120 : i32
    %dma_wait3A_108 = tpu.memref_slice %arg3[%dma_wait3A_107, %mul3A_2] : memref<200x4096xi32, #tpu.memory_space<hbm>> -> memref<40x128xi32, #tpu.memory_space<hbm>>
    %dma_wait3A_109 = arith.constant 120 : i32
    %dma_wait3A_110 = tpu.memref_slice %arg3[%dma_wait3A_109, %mul3A_2] : memref<200x4096xi32, #tpu.memory_space<hbm>> -> memref<40x128xi32, #tpu.memory_space<hbm>>
    tpu.wait_dma2 semaphore(%arg14 : memref<!tpu.dma_semaphore, #tpu.memory_space<semaphore_mem>>) src(%dma_wait3A_110 : memref<40x128xi32, #tpu.memory_space<hbm>>) dst(%arg9 : memref<40x128xi32, #tpu.memory_space<vmem>>)
    %dma_wait3A_111 = arith.constant 40 : i32
    %dma_wait3A_112 = tpu.memref_slice %arg5[%dma_wait3A_111, %mul3A_2] : memref<200x4096xf32, #tpu.memory_space<hbm>> -> memref<40x128xf32, #tpu.memory_space<hbm>>
    %dma_wait3A_113 = arith.constant 40 : i32
    %dma_wait3A_114 = tpu.memref_slice %arg5[%dma_wait3A_113, %mul3A_2] : memref<200x4096xf32, #tpu.memory_space<hbm>> -> memref<40x128xf32, #tpu.memory_space<hbm>>
    tpu.wait_dma2 semaphore(%arg16 : memref<!tpu.dma_semaphore, #tpu.memory_space<semaphore_mem>>) src(%arg12 : memref<40x128xf32, #tpu.memory_space<vmem>>) dst(%dma_wait3A_114 : memref<40x128xf32, #tpu.memory_space<hbm>>)
    %parallel_loop3A_115 = arith.constant 0 : i32
    %parallel_loop3A_116 = arith.constant 40 : i32
    %parallel_loop3A_117 = arith.constant 1 : i32
    scf.for %parallel_loop3A_145 = %parallel_loop3A_115 to %parallel_loop3A_116 step %parallel_loop3A_117  : i32 {
      %parallel_loop3A_146 = arith.index_cast %parallel_loop3A_145 : i32 to index
      %parallel_loop3A_147 = arith.constant 0 : index
      %parallel_loop3A_148 = tpu.vector_load %arg9[%parallel_loop3A_146, %parallel_loop3A_147] {strides = array<i32>} : memref<40x128xi32, #tpu.memory_space<vmem>>, vector<16xi32>,
      %parallel_loop3A_149 = arith.addi %shift_left3A_16, %parallel_loop3A_148 : vector<16xi32>
      %parallel_loop3A_150 = tpu.vector_load_idx %arg10[%parallel_loop3A_149] : memref<512xf32, #tpu.memory_space<vmem>>[vector<16xi32>], vector<16xf32>,
      %parallel_loop3A_151 = arith.index_cast %parallel_loop3A_145 : i32 to index
      %parallel_loop3A_152 = arith.constant 0 : index
      %parallel_loop3A_153 = tpu.vector_load %arg12[%parallel_loop3A_151, %parallel_loop3A_152] {strides = array<i32>} : memref<40x128xf32, #tpu.memory_space<vmem>>, vector<16xf32>,
      tpu.vector_store %arg12[%parallel_loop3A_151, %parallel_loop3A_152], %parallel_loop3A_150 {strides = array<i32>} : memref<40x128xf32, #tpu.memory_space<vmem>>, vector<16xf32>,
      %parallel_loop3A_154 = arith.index_cast %parallel_loop3A_145 : i32 to index
      %parallel_loop3A_155 = arith.constant 16 : index
      %parallel_loop3A_156 = tpu.vector_load %arg9[%parallel_loop3A_154, %parallel_loop3A_155] {strides = array<i32>} : memref<40x128xi32, #tpu.memory_space<vmem>>, vector<16xi32>,
      %parallel_loop3A_157 = arith.addi %shift_left3A_22, %parallel_loop3A_156 : vector<16xi32>
      %parallel_loop3A_158 = tpu.vector_load_idx %arg10[%parallel_loop3A_157] : memref<512xf32, #tpu.memory_space<vmem>>[vector<16xi32>], vector<16xf32>,
      %parallel_loop3A_159 = arith.index_cast %parallel_loop3A_145 : i32 to index
      %parallel_loop3A_160 = arith.constant 16 : index
      %parallel_loop3A_161 = tpu.vector_load %arg12[%parallel_loop3A_159, %parallel_loop3A_160] {strides = array<i32>} : memref<40x128xf32, #tpu.memory_space<vmem>>, vector<16xf32>,
      tpu.vector_store %arg12[%parallel_loop3A_159, %parallel_loop3A_160], %parallel_loop3A_158 {strides = array<i32>} : memref<40x128xf32, #tpu.memory_space<vmem>>, vector<16xf32>,
      %parallel_loop3A_162 = arith.index_cast %parallel_loop3A_145 : i32 to index
      %parallel_loop3A_163 = arith.constant 32 : index
      %parallel_loop3A_164 = tpu.vector_load %arg9[%parallel_loop3A_162, %parallel_loop3A_163] {strides = array<i32>} : memref<40x128xi32, #tpu.memory_space<vmem>>, vector<16xi32>,
      %parallel_loop3A_165 = arith.addi %shift_left3A_28, %parallel_loop3A_164 : vector<16xi32>
      %parallel_loop3A_166 = tpu.vector_load_idx %arg10[%parallel_loop3A_165] : memref<512xf32, #tpu.memory_space<vmem>>[vector<16xi32>], vector<16xf32>,
      %parallel_loop3A_167 = arith.index_cast %parallel_loop3A_145 : i32 to index
      %parallel_loop3A_168 = arith.constant 32 : index
      %parallel_loop3A_169 = tpu.vector_load %arg12[%parallel_loop3A_167, %parallel_loop3A_168] {strides = array<i32>} : memref<40x128xf32, #tpu.memory_space<vmem>>, vector<16xf32>,
      tpu.vector_store %arg12[%parallel_loop3A_167, %parallel_loop3A_168], %parallel_loop3A_166 {strides = array<i32>} : memref<40x128xf32, #tpu.memory_space<vmem>>, vector<16xf32>,
      %parallel_loop3A_170 = arith.index_cast %parallel_loop3A_145 : i32 to index
      %parallel_loop3A_171 = arith.constant 48 : index
      %parallel_loop3A_172 = tpu.vector_load %arg9[%parallel_loop3A_170, %parallel_loop3A_171] {strides = array<i32>} : memref<40x128xi32, #tpu.memory_space<vmem>>, vector<16xi32>,
      %parallel_loop3A_173 = arith.addi %shift_left3A_34, %parallel_loop3A_172 : vector<16xi32>
      %parallel_loop3A_174 = tpu.vector_load_idx %arg10[%parallel_loop3A_173] : memref<512xf32, #tpu.memory_space<vmem>>[vector<16xi32>], vector<16xf32>,
      %parallel_loop3A_175 = arith.index_cast %parallel_loop3A_145 : i32 to index
      %parallel_loop3A_176 = arith.constant 48 : index
      %parallel_loop3A_177 = tpu.vector_load %arg12[%parallel_loop3A_175, %parallel_loop3A_176] {strides = array<i32>} : memref<40x128xf32, #tpu.memory_space<vmem>>, vector<16xf32>,
      tpu.vector_store %arg12[%parallel_loop3A_175, %parallel_loop3A_176], %parallel_loop3A_174 {strides = array<i32>} : memref<40x128xf32, #tpu.memory_space<vmem>>, vector<16xf32>,
      %parallel_loop3A_178 = arith.index_cast %parallel_loop3A_145 : i32 to index
      %parallel_loop3A_179 = arith.constant 64 : index
      %parallel_loop3A_180 = tpu.vector_load %arg9[%parallel_loop3A_178, %parallel_loop3A_179] {strides = array<i32>} : memref<40x128xi32, #tpu.memory_space<vmem>>, vector<16xi32>,
      %parallel_loop3A_181 = arith.addi %shift_left3A_40, %parallel_loop3A_180 : vector<16xi32>
      %parallel_loop3A_182 = tpu.vector_load_idx %arg10[%parallel_loop3A_181] : memref<512xf32, #tpu.memory_space<vmem>>[vector<16xi32>], vector<16xf32>,
      %parallel_loop3A_183 = arith.index_cast %parallel_loop3A_145 : i32 to index
      %parallel_loop3A_184 = arith.constant 64 : index
      %parallel_loop3A_185 = tpu.vector_load %arg12[%parallel_loop3A_183, %parallel_loop3A_184] {strides = array<i32>} : memref<40x128xf32, #tpu.memory_space<vmem>>, vector<16xf32>,
      tpu.vector_store %arg12[%parallel_loop3A_183, %parallel_loop3A_184], %parallel_loop3A_182 {strides = array<i32>} : memref<40x128xf32, #tpu.memory_space<vmem>>, vector<16xf32>,
      %parallel_loop3A_186 = arith.index_cast %parallel_loop3A_145 : i32 to index
      %parallel_loop3A_187 = arith.constant 80 : index
      %parallel_loop3A_188 = tpu.vector_load %arg9[%parallel_loop3A_186, %parallel_loop3A_187] {strides = array<i32>} : memref<40x128xi32, #tpu.memory_space<vmem>>, vector<16xi32>,
      %parallel_loop3A_189 = arith.addi %shift_left3A_46, %parallel_loop3A_188 : vector<16xi32>
      %parallel_loop3A_190 = tpu.vector_load_idx %arg10[%parallel_loop3A_189] : memref<512xf32, #tpu.memory_space<vmem>>[vector<16xi32>], vector<16xf32>,
      %parallel_loop3A_191 = arith.index_cast %parallel_loop3A_145 : i32 to index
      %parallel_loop3A_192 = arith.constant 80 : index
      %parallel_loop3A_193 = tpu.vector_load %arg12[%parallel_loop3A_191, %parallel_loop3A_192] {strides = array<i32>} : memref<40x128xf32, #tpu.memory_space<vmem>>, vector<16xf32>,
      tpu.vector_store %arg12[%parallel_loop3A_191, %parallel_loop3A_192], %parallel_loop3A_190 {strides = array<i32>} : memref<40x128xf32, #tpu.memory_space<vmem>>, vector<16xf32>,
      %parallel_loop3A_194 = arith.index_cast %parallel_loop3A_145 : i32 to index
      %parallel_loop3A_195 = arith.constant 96 : index
      %parallel_loop3A_196 = tpu.vector_load %arg9[%parallel_loop3A_194, %parallel_loop3A_195] {strides = array<i32>} : memref<40x128xi32, #tpu.memory_space<vmem>>, vector<16xi32>,
      %parallel_loop3A_197 = arith.addi %shift_left3A_52, %parallel_loop3A_196 : vector<16xi32>
      %parallel_loop3A_198 = tpu.vector_load_idx %arg10[%parallel_loop3A_197] : memref<512xf32, #tpu.memory_space<vmem>>[vector<16xi32>], vector<16xf32>,
      %parallel_loop3A_199 = arith.index_cast %parallel_loop3A_145 : i32 to index
      %parallel_loop3A_200 = arith.constant 96 : index
      %parallel_loop3A_201 = tpu.vector_load %arg12[%parallel_loop3A_199, %parallel_loop3A_200] {strides = array<i32>} : memref<40x128xf32, #tpu.memory_space<vmem>>, vector<16xf32>,
      tpu.vector_store %arg12[%parallel_loop3A_199, %parallel_loop3A_200], %parallel_loop3A_198 {strides = array<i32>} : memref<40x128xf32, #tpu.memory_space<vmem>>, vector<16xf32>,
      %parallel_loop3A_202 = arith.index_cast %parallel_loop3A_145 : i32 to index
      %parallel_loop3A_203 = arith.constant 112 : index
      %parallel_loop3A_204 = tpu.vector_load %arg9[%parallel_loop3A_202, %parallel_loop3A_203] {strides = array<i32>} : memref<40x128xi32, #tpu.memory_space<vmem>>, vector<16xi32>,
      %parallel_loop3A_205 = arith.addi %shift_left3A_58, %parallel_loop3A_204 : vector<16xi32>
      %parallel_loop3A_206 = tpu.vector_load_idx %arg10[%parallel_loop3A_205] : memref<512xf32, #tpu.memory_space<vmem>>[vector<16xi32>], vector<16xf32>,
      %parallel_loop3A_207 = arith.index_cast %parallel_loop3A_145 : i32 to index
      %parallel_loop3A_208 = arith.constant 112 : index
      %parallel_loop3A_209 = tpu.vector_load %arg12[%parallel_loop3A_207, %parallel_loop3A_208] {strides = array<i32>} : memref<40x128xf32, #tpu.memory_space<vmem>>, vector<16xf32>,
      tpu.vector_store %arg12[%parallel_loop3A_207, %parallel_loop3A_208], %parallel_loop3A_206 {strides = array<i32>} : memref<40x128xf32, #tpu.memory_space<vmem>>, vector<16xf32>,
    } {sc.loop_unroll_factor = 1 : i64, sc.parallel_access}
    %dma_start3A_118 = arith.constant 120 : i32
    %dma_start3A_119 = tpu.memref_slice %arg5[%dma_start3A_118, %mul3A_2] : memref<200x4096xf32, #tpu.memory_space<hbm>> -> memref<40x128xf32, #tpu.memory_space<hbm>>
    %dma_start3A_120 = arith.constant 120 : i32
    %dma_start3A_121 = tpu.memref_slice %arg5[%dma_start3A_120, %mul3A_2] : memref<200x4096xf32, #tpu.memory_space<hbm>> -> memref<40x128xf32, #tpu.memory_space<hbm>>
    tpu.enqueue_dma source(%arg12 : memref<40x128xf32, #tpu.memory_space<vmem>>) target(%dma_start3A_121 : memref<40x128xf32, #tpu.memory_space<hbm>>) target_semaphore(%arg16 : memref<!tpu.dma_semaphore, #tpu.memory_space<semaphore_mem>>)
    %dma_wait3A_122 = arith.constant 160 : i32
    %dma_wait3A_123 = tpu.memref_slice %arg3[%dma_wait3A_122, %mul3A_2] : memref<200x4096xi32, #tpu.memory_space<hbm>> -> memref<40x128xi32, #tpu.memory_space<hbm>>
    %dma_wait3A_124 = arith.constant 160 : i32
    %dma_wait3A_125 = tpu.memref_slice %arg3[%dma_wait3A_124, %mul3A_2] : memref<200x4096xi32, #tpu.memory_space<hbm>> -> memref<40x128xi32, #tpu.memory_space<hbm>>
    tpu.wait_dma2 semaphore(%arg13 : memref<!tpu.dma_semaphore, #tpu.memory_space<semaphore_mem>>) src(%dma_wait3A_125 : memref<40x128xi32, #tpu.memory_space<hbm>>) dst(%arg8 : memref<40x128xi32, #tpu.memory_space<vmem>>)
    %dma_wait3A_126 = arith.constant 80 : i32
    %dma_wait3A_127 = tpu.memref_slice %arg5[%dma_wait3A_126, %mul3A_2] : memref<200x4096xf32, #tpu.memory_space<hbm>> -> memref<40x128xf32, #tpu.memory_space<hbm>>
    %dma_wait3A_128 = arith.constant 80 : i32
    %dma_wait3A_129 = tpu.memref_slice %arg5[%dma_wait3A_128, %mul3A_2] : memref<200x4096xf32, #tpu.memory_space<hbm>> -> memref<40x128xf32, #tpu.memory_space<hbm>>
    tpu.wait_dma2 semaphore(%arg15 : memref<!tpu.dma_semaphore, #tpu.memory_space<semaphore_mem>>) src(%arg11 : memref<40x128xf32, #tpu.memory_space<vmem>>) dst(%dma_wait3A_129 : memref<40x128xf32, #tpu.memory_space<hbm>>)
    %parallel_loop3A_130 = arith.constant 0 : i32
    %parallel_loop3A_131 = arith.constant 40 : i32
    %parallel_loop3A_132 = arith.constant 1 : i32
    scf.for %parallel_loop3A_145 = %parallel_loop3A_130 to %parallel_loop3A_131 step %parallel_loop3A_132  : i32 {
      %parallel_loop3A_146 = arith.index_cast %parallel_loop3A_145 : i32 to index
      %parallel_loop3A_147 = arith.constant 0 : index
      %parallel_loop3A_148 = tpu.vector_load %arg8[%parallel_loop3A_146, %parallel_loop3A_147] {strides = array<i32>} : memref<40x128xi32, #tpu.memory_space<vmem>>, vector<16xi32>,
      %parallel_loop3A_149 = arith.addi %shift_left3A_16, %parallel_loop3A_148 : vector<16xi32>
      %parallel_loop3A_150 = tpu.vector_load_idx %arg10[%parallel_loop3A_149] : memref<512xf32, #tpu.memory_space<vmem>>[vector<16xi32>], vector<16xf32>,
      %parallel_loop3A_151 = arith.index_cast %parallel_loop3A_145 : i32 to index
      %parallel_loop3A_152 = arith.constant 0 : index
      %parallel_loop3A_153 = tpu.vector_load %arg11[%parallel_loop3A_151, %parallel_loop3A_152] {strides = array<i32>} : memref<40x128xf32, #tpu.memory_space<vmem>>, vector<16xf32>,
      tpu.vector_store %arg11[%parallel_loop3A_151, %parallel_loop3A_152], %parallel_loop3A_150 {strides = array<i32>} : memref<40x128xf32, #tpu.memory_space<vmem>>, vector<16xf32>,
      %parallel_loop3A_154 = arith.index_cast %parallel_loop3A_145 : i32 to index
      %parallel_loop3A_155 = arith.constant 16 : index
      %parallel_loop3A_156 = tpu.vector_load %arg8[%parallel_loop3A_154, %parallel_loop3A_155] {strides = array<i32>} : memref<40x128xi32, #tpu.memory_space<vmem>>, vector<16xi32>,
      %parallel_loop3A_157 = arith.addi %shift_left3A_22, %parallel_loop3A_156 : vector<16xi32>
      %parallel_loop3A_158 = tpu.vector_load_idx %arg10[%parallel_loop3A_157] : memref<512xf32, #tpu.memory_space<vmem>>[vector<16xi32>], vector<16xf32>,
      %parallel_loop3A_159 = arith.index_cast %parallel_loop3A_145 : i32 to index
      %parallel_loop3A_160 = arith.constant 16 : index
      %parallel_loop3A_161 = tpu.vector_load %arg11[%parallel_loop3A_159, %parallel_loop3A_160] {strides = array<i32>} : memref<40x128xf32, #tpu.memory_space<vmem>>, vector<16xf32>,
      tpu.vector_store %arg11[%parallel_loop3A_159, %parallel_loop3A_160], %parallel_loop3A_158 {strides = array<i32>} : memref<40x128xf32, #tpu.memory_space<vmem>>, vector<16xf32>,
      %parallel_loop3A_162 = arith.index_cast %parallel_loop3A_145 : i32 to index
      %parallel_loop3A_163 = arith.constant 32 : index
      %parallel_loop3A_164 = tpu.vector_load %arg8[%parallel_loop3A_162, %parallel_loop3A_163] {strides = array<i32>} : memref<40x128xi32, #tpu.memory_space<vmem>>, vector<16xi32>,
      %parallel_loop3A_165 = arith.addi %shift_left3A_28, %parallel_loop3A_164 : vector<16xi32>
      %parallel_loop3A_166 = tpu.vector_load_idx %arg10[%parallel_loop3A_165] : memref<512xf32, #tpu.memory_space<vmem>>[vector<16xi32>], vector<16xf32>,
      %parallel_loop3A_167 = arith.index_cast %parallel_loop3A_145 : i32 to index
      %parallel_loop3A_168 = arith.constant 32 : index
      %parallel_loop3A_169 = tpu.vector_load %arg11[%parallel_loop3A_167, %parallel_loop3A_168] {strides = array<i32>} : memref<40x128xf32, #tpu.memory_space<vmem>>, vector<16xf32>,
      tpu.vector_store %arg11[%parallel_loop3A_167, %parallel_loop3A_168], %parallel_loop3A_166 {strides = array<i32>} : memref<40x128xf32, #tpu.memory_space<vmem>>, vector<16xf32>,
      %parallel_loop3A_170 = arith.index_cast %parallel_loop3A_145 : i32 to index
      %parallel_loop3A_171 = arith.constant 48 : index
      %parallel_loop3A_172 = tpu.vector_load %arg8[%parallel_loop3A_170, %parallel_loop3A_171] {strides = array<i32>} : memref<40x128xi32, #tpu.memory_space<vmem>>, vector<16xi32>,
      %parallel_loop3A_173 = arith.addi %shift_left3A_34, %parallel_loop3A_172 : vector<16xi32>
      %parallel_loop3A_174 = tpu.vector_load_idx %arg10[%parallel_loop3A_173] : memref<512xf32, #tpu.memory_space<vmem>>[vector<16xi32>], vector<16xf32>,
      %parallel_loop3A_175 = arith.index_cast %parallel_loop3A_145 : i32 to index
      %parallel_loop3A_176 = arith.constant 48 : index
      %parallel_loop3A_177 = tpu.vector_load %arg11[%parallel_loop3A_175, %parallel_loop3A_176] {strides = array<i32>} : memref<40x128xf32, #tpu.memory_space<vmem>>, vector<16xf32>,
      tpu.vector_store %arg11[%parallel_loop3A_175, %parallel_loop3A_176], %parallel_loop3A_174 {strides = array<i32>} : memref<40x128xf32, #tpu.memory_space<vmem>>, vector<16xf32>,
      %parallel_loop3A_178 = arith.index_cast %parallel_loop3A_145 : i32 to index
      %parallel_loop3A_179 = arith.constant 64 : index
      %parallel_loop3A_180 = tpu.vector_load %arg8[%parallel_loop3A_178, %parallel_loop3A_179] {strides = array<i32>} : memref<40x128xi32, #tpu.memory_space<vmem>>, vector<16xi32>,
      %parallel_loop3A_181 = arith.addi %shift_left3A_40, %parallel_loop3A_180 : vector<16xi32>
      %parallel_loop3A_182 = tpu.vector_load_idx %arg10[%parallel_loop3A_181] : memref<512xf32, #tpu.memory_space<vmem>>[vector<16xi32>], vector<16xf32>,
      %parallel_loop3A_183 = arith.index_cast %parallel_loop3A_145 : i32 to index
      %parallel_loop3A_184 = arith.constant 64 : index
      %parallel_loop3A_185 = tpu.vector_load %arg11[%parallel_loop3A_183, %parallel_loop3A_184] {strides = array<i32>} : memref<40x128xf32, #tpu.memory_space<vmem>>, vector<16xf32>,
      tpu.vector_store %arg11[%parallel_loop3A_183, %parallel_loop3A_184], %parallel_loop3A_182 {strides = array<i32>} : memref<40x128xf32, #tpu.memory_space<vmem>>, vector<16xf32>,
      %parallel_loop3A_186 = arith.index_cast %parallel_loop3A_145 : i32 to index
      %parallel_loop3A_187 = arith.constant 80 : index
      %parallel_loop3A_188 = tpu.vector_load %arg8[%parallel_loop3A_186, %parallel_loop3A_187] {strides = array<i32>} : memref<40x128xi32, #tpu.memory_space<vmem>>, vector<16xi32>,
      %parallel_loop3A_189 = arith.addi %shift_left3A_46, %parallel_loop3A_188 : vector<16xi32>
      %parallel_loop3A_190 = tpu.vector_load_idx %arg10[%parallel_loop3A_189] : memref<512xf32, #tpu.memory_space<vmem>>[vector<16xi32>], vector<16xf32>,
      %parallel_loop3A_191 = arith.index_cast %parallel_loop3A_145 : i32 to index
      %parallel_loop3A_192 = arith.constant 80 : index
      %parallel_loop3A_193 = tpu.vector_load %arg11[%parallel_loop3A_191, %parallel_loop3A_192] {strides = array<i32>} : memref<40x128xf32, #tpu.memory_space<vmem>>, vector<16xf32>,
      tpu.vector_store %arg11[%parallel_loop3A_191, %parallel_loop3A_192], %parallel_loop3A_190 {strides = array<i32>} : memref<40x128xf32, #tpu.memory_space<vmem>>, vector<16xf32>,
      %parallel_loop3A_194 = arith.index_cast %parallel_loop3A_145 : i32 to index
      %parallel_loop3A_195 = arith.constant 96 : index
      %parallel_loop3A_196 = tpu.vector_load %arg8[%parallel_loop3A_194, %parallel_loop3A_195] {strides = array<i32>} : memref<40x128xi32, #tpu.memory_space<vmem>>, vector<16xi32>,
      %parallel_loop3A_197 = arith.addi %shift_left3A_52, %parallel_loop3A_196 : vector<16xi32>
      %parallel_loop3A_198 = tpu.vector_load_idx %arg10[%parallel_loop3A_197] : memref<512xf32, #tpu.memory_space<vmem>>[vector<16xi32>], vector<16xf32>,
      %parallel_loop3A_199 = arith.index_cast %parallel_loop3A_145 : i32 to index
      %parallel_loop3A_200 = arith.constant 96 : index
      %parallel_loop3A_201 = tpu.vector_load %arg11[%parallel_loop3A_199, %parallel_loop3A_200] {strides = array<i32>} : memref<40x128xf32, #tpu.memory_space<vmem>>, vector<16xf32>,
      tpu.vector_store %arg11[%parallel_loop3A_199, %parallel_loop3A_200], %parallel_loop3A_198 {strides = array<i32>} : memref<40x128xf32, #tpu.memory_space<vmem>>, vector<16xf32>,
      %parallel_loop3A_202 = arith.index_cast %parallel_loop3A_145 : i32 to index
      %parallel_loop3A_203 = arith.constant 112 : index
      %parallel_loop3A_204 = tpu.vector_load %arg8[%parallel_loop3A_202, %parallel_loop3A_203] {strides = array<i32>} : memref<40x128xi32, #tpu.memory_space<vmem>>, vector<16xi32>,
      %parallel_loop3A_205 = arith.addi %shift_left3A_58, %parallel_loop3A_204 : vector<16xi32>
      %parallel_loop3A_206 = tpu.vector_load_idx %arg10[%parallel_loop3A_205] : memref<512xf32, #tpu.memory_space<vmem>>[vector<16xi32>], vector<16xf32>,
      %parallel_loop3A_207 = arith.index_cast %parallel_loop3A_145 : i32 to index
      %parallel_loop3A_208 = arith.constant 112 : index
      %parallel_loop3A_209 = tpu.vector_load %arg11[%parallel_loop3A_207, %parallel_loop3A_208] {strides = array<i32>} : memref<40x128xf32, #tpu.memory_space<vmem>>, vector<16xf32>,
      tpu.vector_store %arg11[%parallel_loop3A_207, %parallel_loop3A_208], %parallel_loop3A_206 {strides = array<i32>} : memref<40x128xf32, #tpu.memory_space<vmem>>, vector<16xf32>,
    } {sc.loop_unroll_factor = 1 : i64, sc.parallel_access}
    %dma_start3A_133 = arith.constant 160 : i32
    %dma_start3A_134 = tpu.memref_slice %arg5[%dma_start3A_133, %mul3A_2] : memref<200x4096xf32, #tpu.memory_space<hbm>> -> memref<40x128xf32, #tpu.memory_space<hbm>>
    %dma_start3A_135 = arith.constant 160 : i32
    %dma_start3A_136 = tpu.memref_slice %arg5[%dma_start3A_135, %mul3A_2] : memref<200x4096xf32, #tpu.memory_space<hbm>> -> memref<40x128xf32, #tpu.memory_space<hbm>>
    tpu.enqueue_dma source(%arg11 : memref<40x128xf32, #tpu.memory_space<vmem>>) target(%dma_start3A_136 : memref<40x128xf32, #tpu.memory_space<hbm>>) target_semaphore(%arg15 : memref<!tpu.dma_semaphore, #tpu.memory_space<semaphore_mem>>)
    %dma_wait3A_137 = arith.constant 160 : i32
    %dma_wait3A_138 = tpu.memref_slice %arg5[%dma_wait3A_137, %mul3A_2] : memref<200x4096xf32, #tpu.memory_space<hbm>> -> memref<40x128xf32, #tpu.memory_space<hbm>>
    %dma_wait3A_139 = arith.constant 160 : i32
    %dma_wait3A_140 = tpu.memref_slice %arg5[%dma_wait3A_139, %mul3A_2] : memref<200x4096xf32, #tpu.memory_space<hbm>> -> memref<40x128xf32, #tpu.memory_space<hbm>>
    tpu.wait_dma2 semaphore(%arg15 : memref<!tpu.dma_semaphore, #tpu.memory_space<semaphore_mem>>) src(%arg11 : memref<40x128xf32, #tpu.memory_space<vmem>>) dst(%dma_wait3A_140 : memref<40x128xf32, #tpu.memory_space<hbm>>)
    %dma_wait3A_141 = arith.constant 120 : i32
    %dma_wait3A_142 = tpu.memref_slice %arg5[%dma_wait3A_141, %mul3A_2] : memref<200x4096xf32, #tpu.memory_space<hbm>> -> memref<40x128xf32, #tpu.memory_space<hbm>>
    %dma_wait3A_143 = arith.constant 120 : i32
    %dma_wait3A_144 = tpu.memref_slice %arg5[%dma_wait3A_143, %mul3A_2] : memref<200x4096xf32, #tpu.memory_space<hbm>> -> memref<40x128xf32, #tpu.memory_space<hbm>>
    tpu.wait_dma2 semaphore(%arg16 : memref<!tpu.dma_semaphore, #tpu.memory_space<semaphore_mem>>) src(%arg12 : memref<40x128xf32, #tpu.memory_space<vmem>>) dst(%dma_wait3A_144 : memref<40x128xf32, #tpu.memory_space<hbm>>)
    return
  }
}

</mosaic_0001>

<sc_bundles>
// kernel: kernel.3.cloned.1.call-start
scs
__scs_entry_jumppad:
0x0: {  	(pc) =	sbr.rel $0x88, $3  }
0x1: {  	(tag) =	ssettag $0x0;
	lr =	simm.s32 $0x1  }
0x2: {  	[smem:$0x3F9E] =	sst lr;
	_ =	strace $0xD0000000  }
0x3: {  	_ = 	snop  }
0x4: {  	_ = 	snop  }
0x5: {  	_ = 	snop  }
0x6: {  	_ = 	snop  }
0x7: {  	_ = 	snop  }
__scs_overlays_trampoline_lowered:
0x8: {  	[smem:$0x3FAD] =	sst s0  }
0x9: {  	[smem:$0x3FAE] =	sst s1  }
0xa: {  	[smem:$0x3FAF] =	sst s2  }
0xb: {  	[smem:$0x3FB0] =	sst s3  }
0xc: {  	[smem:$0x3FB1] =	sst s4  }
0xd: {  	[smem:$0x3FB2] =	sst s5  }
0xe: {  	[smem:$0x3FB3] =	sst s6  }
0xf: {  	[smem:$0x3FB4] =	sst s7  }
0x10: {  	[smem:$0x3FB5] =	sst s8  }
0x11: {  	[smem:$0x3FB6] =	sst s9;
	s0 =	simm.s32 @!p0 $0x0  }
0x12: {  	s1 =	sld [smem:$0x3F9C];
	s0 =	simm.s32 @p0 $0x1  }
0x13: {  	[smem:$0x3FB7] =	sst s0;
	s0 =	simm.s32 @!p1 $0x0  }
0x14: {  	s2 =	sld [smem:$0x3F9B];
	s0 =	simm.s32 @p1 $0x1  }
0x15: {  	[smem:$0x3FB8] =	sst s0;
	s0 =	simm.s32 @!p2 $0x0  }
0x16: {  	s3 =	sld [smem:$0x3FDB];
	s0 =	simm.s32 @p2 $0x1  }
0x17: {  	s4 =	simm.s32 $0x1BF5;
	[smem:$0x3FBA] =	sst s0  }
0x18: {  	s0 =	sld [smem:$0x3F9D];
	_ =	swait.ge [sflag:s4], $0x0  }
0x19: {  	s7 =	sld [smem:$0x3F9E]  }
0x1a: {  	s8 =	sadd.s32 $0xFFFFE003, lr  }
0x1b: {  	s9 =	sadd.s32 $0xFFFFFEF7, lr;
	s5 =	simm.s32 $0xFFFFFFFF;
	p2 =	slt.u32 s8, $0xFFFFF086  }
0x1c: {  	p1 =	slt.u32 s9, $0xF7A;
	s5 =	simm.s32 @!p2 $0x0  }
0x1d: {  	s5 =	simm.s32 @p1 $0x1;
	p0 =	seq.s32 s7, s2  }
0x1e: {  	s7 =	smul.u32 @!p0 $0xF7A, s2;
	p2 =	seq.s32 @!p0 s5, $0x0  }
0x1f: {  	s9 =	smul.u32 $0xF7A, s1;
	s8 =	simm.s32 @!p0 $0x1BF5;
	p2 =	por !p2, p0  }
0x20: {  	[sflag:s8] =	ssyncset.s32 @!p0 $0xFFFFF086;
	s6 =	sadd.s32 @!p0 s3, s7;
	s7 =	simm.s32 @!p0 $0x108  }
0x21: {  	s3 =	sadd.s32 s3, s9;
	s6 =	sadd.s32 @!p0 $0x88, s6;
	s7 =	simm.s32 @p2 $0x1082  }
0x22: {  	[simem:s7], [sflag:s8] =	dma.local @!p0 [hbm:s6], $0xF7A  }
0x23: {  	s9 =	sor.u32 $0xD0000000, s2;
	s6 =	simm.s32 $0x108;
	_ =	swait.ge @!p0 [sflag:s8], $0x0  }
0x24: {  	s3 =	sadd.s32 $0x88, s3;
	s6 =	simm.s32 @!p1 $0x1082;
	[sflag:s4] =	ssyncset.s32 $0xFFFFF086  }
0x25: {  	[simem:s6], [sflag:s4] =	dma.local [hbm:s3], $0xF7A  }
0x26: {  	[smem:$0x3F9E] =	sst s1;
	(tag) =	ssettag s2;
	_ =	strace s9  }
0x27: {  	s1 =	sld [smem:$0x3FAE]  }
0x28: {  	s2 =	sld [smem:$0x3FAF]  }
0x29: {  	s4 =	sld [smem:$0x3FB1]  }
0x2a: {  	p0 =	seq.s32 s5, $0x0;
	s5 =	sld [smem:$0x3FB2]  }
0x2b: {  	s6 =	sld [smem:$0x3FB3]  }
0x2c: {  	s7 =	sld [smem:$0x3FB4]  }
0x2d: {  	s3 =	simm.s32 $0x108;
	s8 =	sld [smem:$0x3FB5]  }
0x2e: {  	s3 =	simm.s32 @!p0 $0x1082;
	s9 =	sld [smem:$0x3FB6]  }
0x2f: {  	lr =	sadd.s32 s0, s3;
	s0 =	sld [smem:$0x3FAD]  }
0x30: {  	s3 =	sld [smem:$0x3FB0]  }
0x31: {  	[smem:$0x3FB9] =	sst s10  }
0x32: {  	s10 =	sld [smem:$0x3FB7];
	_ =	sdelay $0x3  }
0x33: {  	p0 =	seq.s32 s10, $0x1;
	s10 =	sld [smem:$0x3FB9];
	_ =	sdelay $0x3  }
0x34: {  	[smem:$0x3FB9] =	sst s10  }
0x35: {  	s10 =	sld [smem:$0x3FB8];
	_ =	sdelay $0x3  }
0x36: {  	p1 =	seq.s32 s10, $0x1;
	s10 =	sld [smem:$0x3FB9];
	_ =	sdelay $0x3  }
0x37: {  	[smem:$0x3FB9] =	sst s10  }
0x38: {  	s10 =	sld [smem:$0x3FBA]  }
0x39: {  	_ = 	snop;
	(pc) =	sbr.ind lr, $3  }
0x3a: {  	_ = 	snop  }
0x3b: {  	_ = 	snop  }
0x3c: {  	p2 =	seq.s32 s10, $0x1;
	s10 =	sld [smem:$0x3FB9]  }
0x3d: {  	_ =	shalt  }
0x3e: {  	_ =	shalt  }
0x3f: {  	_ =	shalt  }
0x40: {  	_ =	shalt  }
0x41: {  	_ =	shalt  }
0x42: {  	_ =	shalt  }
0x43: {  	_ =	shalt  }
0x44: {  	_ =	shalt  }
0x45: {  	_ =	shalt  }
0x46: {  	_ =	shalt  }
0x47: {  	_ =	shalt  }
0x48: {  	_ =	shalt  }
0x49: {  	_ =	shalt  }
0x4a: {  	_ =	shalt  }
0x4b: {  	_ =	shalt  }
0x4c: {  	_ =	shalt  }
0x4d: {  	_ =	shalt  }
0x4e: {  	_ =	shalt  }
0x4f: {  	_ =	shalt  }
0x50: {  	_ =	shalt  }
0x51: {  	_ =	shalt  }
0x52: {  	_ =	shalt  }
0x53: {  	_ =	shalt  }
0x54: {  	_ =	shalt  }
0x55: {  	_ =	shalt  }
0x56: {  	_ =	shalt  }
0x57: {  	_ =	shalt  }
0x58: {  	_ =	shalt  }
0x59: {  	_ =	shalt  }
0x5a: {  	_ =	shalt  }
0x5b: {  	_ =	shalt  }
0x5c: {  	_ =	shalt  }
0x5d: {  	_ =	shalt  }
0x5e: {  	_ =	shalt  }
0x5f: {  	_ =	shalt  }
0x60: {  	_ =	shalt  }
0x61: {  	_ =	shalt  }
0x62: {  	_ =	shalt  }
0x63: {  	_ =	shalt  }
0x64: {  	_ =	shalt  }
0x65: {  	_ =	shalt  }
0x66: {  	_ =	shalt  }
0x67: {  	_ =	shalt  }
0x68: {  	_ =	shalt  }
0x69: {  	_ =	shalt  }
0x6a: {  	_ =	shalt  }
0x6b: {  	_ =	shalt  }
0x6c: {  	_ =	shalt  }
0x6d: {  	_ =	shalt  }
0x6e: {  	_ =	shalt  }
0x6f: {  	_ =	shalt  }
0x70: {  	_ =	shalt  }
0x71: {  	_ =	shalt  }
0x72: {  	_ =	shalt  }
0x73: {  	_ =	shalt  }
0x74: {  	_ =	shalt  }
0x75: {  	_ =	shalt  }
0x76: {  	_ =	shalt  }
0x77: {  	_ =	shalt  }
0x78: {  	_ =	shalt  }
0x79: {  	_ =	shalt  }
0x7a: {  	_ =	shalt  }
0x7b: {  	_ =	shalt  }
0x7c: {  	_ =	shalt  }
0x7d: {  	_ =	shalt  }
0x7e: {  	_ =	shalt  }
0x7f: {  	_ =	shalt  }
0x80: {  	_ =	shalt  }
0x81: {  	_ =	shalt  }
0x82: {  	_ =	shalt  }
0x83: {  	_ =	shalt  }
0x84: {  	_ =	shalt  }
0x85: {  	_ =	shalt  }
0x86: {  	_ =	shalt  }
0x87: {  	_ =	shalt  }
.Lfunc_end0:
.L_simem_size_0:
called_computation_lowered:
.L_overlay_start_0:
0x88: {  	s2 =	sld [smem:$0x3FD9]  }
0x89: {  	s3 =	sld [smem:$0x3FFE];
	_ =	sdelay $0x1  }
0x8a: {  	s1 =	srdreg.scid  }
0x8b: {  	s0 =	sand.u32 $0x1, s1  }
0x8c: {  	s18 =	sshll.u32 s0, $0xA;
	s2 =	sadd.s32 s3, s2  }
0x8d: {  	s2 =	sadd.s32 s2, s18  }
0x8e: {  	[smem:$0x3FC5] =	sst s2  }
0x8f: {  	_ = 	snop  }
0x90: {  	s2 =	sld [smem:$0x3FC9]  }
0x91: {  	s19 =	sld [smem:$0x3FC8]  }
0x92: {  	s4 =	sld [smem:$0x3FC7]  }
0x93: {  	s5 =	sld [smem:$0x3FD0];
	(tm) =	ssettm $0x1  }
0x94: {  	s6 =	sld [smem:$0x3FFB];
	_ =	sdelay $0x3  }
0x95: {  	_ =	strace s6  }
0x96: {  	s6 =	sld [smem:$0x3FFC];
	_ =	sdelay $0x3  }
0x97: {  	_ =	strace s6  }
0x98: {  	s6 =	sld [smem:$0x3FFD];
	_ =	sdelay $0x3  }
0x99: {  	_ =	strace s6  }
0x9a: {  	_ =	strace $0x8FFFFFFF  }
0x9b: {  	s20 =	sld [smem:$0x3FDB];
	_ =	sdelay $0x1  }
0x9c: {  	s7 =	simm.s32 $_scs_section_size  }
0x9d: {  	s8 =	simm.s32 $_size__tile_overlayer_lowered;
	s9 =	simm.s32 $_tile_overlayer_lowered  }
0x9e: {  	s23 =	simm.s32 $0x1BFF;
	s22 =	sshll.u32 s9, $0x1;
	s6 =	sadd.s32 s7, s20  }
0x9f: {  	s10 =	simm.s32 $0x0;
	s21 =	sshll.u32 s8, $0x1;
	s8 =	sadd.s32 s22, s6  }
0xa0: {  	[timem:s10], [sflag:s23] =	dma.local [hbm:s8], s21  }
0xa1: {  	_ =	swait.ge [sflag:s23], s21  }
0xa2: {  	s7 =	ssub.s32 $0x0, s21;
	[sflag:s23] =	ssyncset.done $0x0  }
0xa3: {  	[sflag:s23] =	ssyncadd.s32 s7;
	_ =	sdelay $0x1  }
0xa4: {  	s24 =	simm.s32 $0x1B8B  }
0xa5: {  	_ =	swait.ge [sflag:s24], $0x1  }
0xa6: {  	[sflag:s24] =	ssyncset.done $0x0  }
0xa7: {  	s25 =	simm.s32 $0x1B8E;
	[sflag:s24] =	ssyncadd.s32 $0xFFFFFFFF  }
0xa8: {  	s26 =	simm.s32 $execute0_lowered;
	[smem:$0x3FD2] =	sst s25  }
0xa9: {  	s7 =	sshll.u32 s26, $0x1;
	_ =	strace $0x80000046;
	[dreg:$0x1] =	wrdreg $0xFFFFFFFF  }
0xaa: {  	s28 =	simm.s32 $_size_execute0_lowered;
	s6 =	sadd.s32 s6, s7;
	[dreg:$0x0] =	wrdreg $0x0  }
0xab: {  	s7 =	sshll.u32 s28, $0x1;
	[dreg:$0x2] =	wrdreg s6  }
0xac: {  	[dreg:$0x3] =	wrdreg s7  }
0xad: {  	[dreg:$0x4] =	wrdreg $0xC0  }
0xae: {  	_ =	task [dreg:s10], $0x5FFFF  }
0xaf: {  	[dreg:$0x1] =	wrdreg $0xFFFFFFFF  }
0xb0: {  	[dreg:$0x0] =	wrdreg $0x60  }
0xb1: {  	[dreg:$0x2] =	wrdreg s2  }
0xb2: {  	[dreg:$0x3] =	wrdreg s19  }
0xb3: {  	[dreg:$0x4] =	wrdreg s4  }
0xb4: {  	[dreg:$0x5] =	wrdreg s5  }
0xb5: {  	[dreg:$0x6] =	wrdreg $0x9  }
0xb6: {  	_ =	task.clear_ibuf [dreg:s10], $0x7FFFF;
	_ =	strace $0x90000046  }
0xb7: {  	s29 =	simm.s32 $0x9;
	_ =	strace $0x80000048  }
0xb8: {  	_ =	swait.ge [sflag:s29], $0x1  }
0xb9: {  	[sflag:s29] =	ssyncadd.s32 $0xFFFFFFFF  }
0xba: {  	_ =	strace $0x90000048  }
0xbb: {  	_ =	sfence  }
0xbc: {  	s30 =	sld [smem:$0x0];
	_ =	sdelay $0x2  }
0xbd: {  	s31 =	sshll.u32 s1, $0xD;
	s1 =	sshrl.u32 s1, $0x2  }
0xbe: {  	s3 =	sand.u32 $0x4000, s31;
	s1 =	sadd.s32 s1, s30  }
0xbf: {  	s0 =	sor.u32 s3, s0;
	s1 =	sshll.u32 s1, $0x11  }
0xc0: {  	s0 =	sor.u32 s1, s0  }
0xc1: {  	s0 =	sadd.s32 $0x8F2B, s0  }
0xc2: {  	[sflag:s0] =	ssyncadd.remote.s32 $0x1  }
0xc3: {  	_ =	sfence.sel $0xFFFF  }
0xc4: {  	[dreg:$0x0] =	wrdreg $0xFFFFFFFF;
	(pc) =	sbr.abs _section_cstart, $3  }
0xc5: {  	[dreg:$0x1] =	wrdreg $0xFFFFFFFF  }
0xc6: {  	_ =	task.clear_ibuf [dreg:s10], $0x2FFFF;
	_ =	strace $0x9FFFFFFF  }
0xc7: {  	(tm) =	ssettm $0x7FFFFFFF  }
tec
execute0_lowered:
.L_overlay_start_1:
0x0: {  	(tag) =	ssettag $0x1  }
0x1: {  	s0 =	rddreg [dreg:$0x0]  }
0x2: {  	s1 =	rddreg [dreg:$0x1]  }
0x3: {  	s2 =	rddreg [dreg:$0x3];
	s3 =	srdreg.scid  }
0x4: {  	s5 =	stileid.u32;
	s16 =	simm.s32 $0x400;
	s17 =	simm.s32 $0x8000  }
0x5: {  	s18 =	simm.s32 $0x1080;
	s20 =	simm.s32 $0x5;
	s21 =	simm.s32 $0x1000  }
0x6: {  	s22 =	simm.s32 $0x1;
	s23 =	simm.s32 $0x3880;
	s28 =	simm.s32 $0x3  }
0x7: {  	s29 =	simm.s32 $0x4;
	s30 =	simm.s32 $0x0;
	s4 =	sand.u32 $0x1, s3  }
0x8: {  	s5 =	sshll.u32 s5, $0x1;
	s3 =	simm.s32 $0x0;
	s6 =	ssub.s32 $0x2, s4  }
0x9: {  	s4 =	sor.u32 s4, s5;
	[smem:$0x7FF] =	sst s3;
	s24 =	sshrl.u32 s6, $0x1  }
0xa: {  	s9 =	sshll.u32 s4, $0x7;
	_ =	strace $0x80000047;
	s4 =	sshll.u32 s4, $0x4  }
0xb: {  	s15 =	ssub.s32 s6, s24;
	s25 =	sadd.s32 s1, s9;
	s10 =	sor.u32 $0x5000, s9  }
0xc: {  	v0 =	vlaneseq.u32;
	s12 =	sor.u32 $0xA000, s9;
	s6 =	sadd.s32 s0, s4;
	s8 =	sadd.s32 s2, s9  }
0xd: {  	v1 =	vmul.u32 $0x4, v0;
	s26 =	sor.u32 $0xF000, s9;
	s31 =	sor.u32 $0x14000, s9;
	s24 =	simm.s32 $0x3A80  }
0xe: {  	v2 =	vand.u32 $0x3, v0;
	[dreg:$0x5] =	wrdreg s25;
	s5 =	sadd.s32 s1, s10;
	s7 =	sadd.s32 s1, s12  }
0xf: {  	v2 =	vmul.u32 $0x80, v2;
	v3 =	vor.u32 $0x40, v1;
	s9 =	sadd.s32 s1, s26;
	s10 =	sadd.s32 s2, s10;
	s11 =	sadd.s32 s1, s31  }
0x10: {  	v4 =	vor.u32 $0x80, v1;
	v5 =	vor.u32 $0xC0, v1;
	v6 =	vor.u32 $0x100, v1;
	s12 =	sadd.s32 s2, s12;
	s13 =	sadd.s32 s2, s26;
	s14 =	sadd.s32 s2, s31  }
0x11: {  	v7 =	vor.u32 $0x140, v1;
	v8 =	vor.u32 $0x180, v1;
	v9 =	vor.u32 $0x1C0, v1;
	s15 =	smax.u32 s15, $0x1;
	s25 =	simm.s32 $0x2;
	s26 =	simm.s32 $0x4E80  }
.LBB2_1:
0x12: {  	s0 =	rddreg [dreg:$0x5]  }
0x13: {  	[tilespmem:s18], [sflag:$0x1] =	stream.strided.gather [hbm4b:s0+s16], $0x1400, s17, s16, $0x38;
	[tilespmem:$0x6280] =	vst v63  }
0x14: {  	s31 =	simm.s32 $0x2480  }
0x15: {  	[tilespmem:s31], [sflag:$0x2] =	stream.strided.gather [hbm4b:s5+s16], $0x1400, s17, s16, $0x38;
	[tilespmem:$0x6280] =	vst v63  }
0x16: {  	s1 =	rddreg [dreg:$0x2]  }
0x17: {  	[tilespmem:s3], [sflag:$0x5] =	stream.linear.gather [hbm4b:s1+s3], $0x1000, $0x38;
	[tilespmem:$0x6280] =	vst v63  }
0x18: {  	s2 =	simm.s32 $0x10;
	_ =	swait.ge [sflag:s20], $0x1000  }
0x19: {  	v10 =	vor.u32 s2, v0;
	[sflag:s20] =	ssyncset.done $0x0  }
0x1a: {  	v11 =	vor.u32 s3, v0;
	v10 =	vshrl.u32 v10, $0x2;
	[sflag:s20] =	ssyncadd.s32 $0xFFFFF000  }
0x1b: {  	v11 =	vshrl.u32 v11, $0x2;
	[tilespmem:s21], [sflag:$0x5] =	stream.linear.gather [hbm4b:s6+s3], $0x80, $0x38;
	[tilespmem:$0x6280] =	vst v63  }
0x1c: {  	_ =	swait.ge [sflag:s20], $0x80  }
0x1d: {  	[sflag:s20] =	ssyncset.done $0x0  }
0x1e: {  	s4 =	simm.s32 $0x30;
	[sflag:s20] =	ssyncadd.s32 $0xFFFFFF80  }
0x1f: {  	v12 =	vor.u32 s4, v0;
	s1 =	simm.s32 $0x20;
	v10 =	vld.idx.msk [tilespmem:v10+s21+$0x0], $0xffff  }
0x20: {  	v12 =	vshrl.u32 v12, $0x2;
	v13 =	vor.u32 s1, v0;
	v11 =	vld.idx.msk [tilespmem:v11+s21+$0x0], $0xffff  }
0x21: {  	s31 =	simm.s32 $0x50;
	v13 =	vshrl.u32 v13, $0x2  }
0x22: {  	s19 =	simm.s32 $0x40;
	v15 =	vor.u32 s31, v0  }
0x23: {  	v14 =	vor.u32 s19, v0;
	v15 =	vshrl.u32 v15, $0x2  }
0x24: {  	v14 =	vshrl.u32 v14, $0x2;
	v16 =	vshll.u32 v10, $0x2  }
0x25: {  	v12 =	vld.idx.msk [tilespmem:v12+s21+$0x0], $0xffff;
	v10 =	vand.u32 $0x7F, v10;
	v17 =	vshll.u32 v11, $0x2;
	v16 =	vand.u32 $0xFFFFFE00, v16  }
0x26: {  	v13 =	vld.idx.msk [tilespmem:v13+s21+$0x0], $0xffff;
	v11 =	vand.u32 $0x7F, v11;
	v17 =	vand.u32 $0xFFFFFE00, v17;
	v10 =	vor.u32 v16, v10  }
0x27: {  	s2 =	simm.s32 $0x70;
	v11 =	vor.u32 v17, v11;
	v10 =	vor.u32 v2, v10  }
0x28: {  	s4 =	simm.s32 $0x60;
	v20 =	vld.idx.msk [tilespmem:v15+s21+$0x0], $0xffff;
	v16 =	vor.u32 s2, v0;
	v11 =	vor.u32 v2, v11  }
0x29: {  	v17 =	vor.u32 s4, v0;
	v16 =	vshrl.u32 v16, $0x2  }
0x2a: {  	v15 =	vshll.u32 v12, $0x2;
	v21 =	vshrl.u32 v17, $0x2  }
0x2b: {  	v18 =	vld.idx.msk [tilespmem:v14+s21+$0x0], $0xffff;
	v12 =	vand.u32 $0x7F, v12;
	v14 =	vand.u32 $0xFFFFFE00, v15;
	v17 =	vshll.u32 v13, $0x2  }
0x2c: {  	v12 =	vor.u32 v14, v12;
	v13 =	vand.u32 $0x7F, v13;
	v15 =	vand.u32 $0xFFFFFE00, v17;
	v10 =	vld.idx.msk [tilespmem:v10+s3+$0x0], $0xffff  }
0x2d: {  	s19 =	simm.s32 $0x80;
	s31 =	simm.s32 $0x90;
	v19 =	vshll.u32 v20, $0x2;
	v12 =	vor.u32 v2, v12;
	v13 =	vor.u32 v15, v13;
	v11 =	vld.idx.msk [tilespmem:v11+s3+$0x0], $0xffff  }
0x2e: {  	v17 =	vor.u32 s31, v0;
	v15 =	vor.u32 s19, v0;
	v13 =	vor.u32 v2, v13;
	v14 =	vld.idx.msk [tilespmem:v16+s21+$0x0], $0xffff  }
0x2f: {  	s0 =	simm.s32 $0x3890;
	s1 =	simm.s32 $0x3890;
	v20 =	vand.u32 $0x7F, v20;
	s2 =	simm.s32 $0xA0;
	v17 =	vshrl.u32 v17, $0x2;
	v16 =	vshrl.u32 v15, $0x2;
	v15 =	vld.idx.msk [tilespmem:v21+s21+$0x0], $0xffff  }
.LBB2_2:
0x30: {  	p0 =	slt.u32 s2, $0x1E0  }
0x31: {  	v21 =	vand.u32 $0x7F, v18;
	v18 =	vshll.u32 v18, $0x2;
	v19 =	vand.u32 $0xFFFFFE00, v19;
	s0 =	sadd.s32 $0x20, s0;
	s4 =	smov.u32 s2;
	s2 =	sadd.s32 $0x20, s2  }
.Ltmp0:
0x32: {  	v18 =	vand.u32 $0xFFFFFE00, v18;
	v19 =	vor.u32 v19, v20;
	[tilespmem:s1+$0x0] =	vst v10;
	v10 =	vld.idx.msk [tilespmem:v12+s3+$0x0], $0xffff;
	(pc) =	sbr.rel @p0 .LBB2_2-.Ltmp0, $4  }
0x33: {  	v18 =	vor.u32 v18, v21;
	v12 =	vor.u32 v2, v19;
	[tilespmem:s1+$0xFFFFFFF0] =	vst v11;
	v11 =	vld.idx.msk [tilespmem:v13+s3+$0x0], $0xffff;
	s1 =	smov.u32 s0  }
0x34: {  	s19 =	sadd.s32 $0x10, s4;
	v13 =	vor.u32 v2, v18  }
0x35: {  	v21 =	vor.u32 s4, v0;
	v22 =	vor.u32 s19, v0;
	v19 =	vshll.u32 v14, $0x2;
	v20 =	vmovc v14;
	v14 =	vld.idx.msk [tilespmem:v17+s21+$0x0], $0xffff  }
0x36: {  	v17 =	vshrl.u32 v22, $0x2;
	v20 =	vand.u32 $0x7F, v20;
	v18 =	vmovc v15;
	v15 =	vld.idx.msk [tilespmem:v16+s21+$0x0], $0xffff;
	v16 =	vshrl.u32 v21, $0x2  }
0x37: {  	_ =	sdelay $0x3  }
0x38: {  	v21 =	vshll.u32 v18, $0x2;
	v19 =	vand.u32 $0xFFFFFE00, v19;
	v17 =	vld.idx.msk [tilespmem:v17+s21+$0x0], $0xffff  }
0x39: {  	v18 =	vand.u32 $0x7F, v18;
	v16 =	vld.idx.msk [tilespmem:v16+s21+$0x0], $0xffff;
	v21 =	vand.u32 $0xFFFFFE00, v21;
	v19 =	vor.u32 v19, v20  }
0x3a: {  	v18 =	vor.u32 v21, v18;
	v19 =	vor.u32 v2, v19  }
0x3b: {  	v20 =	vshll.u32 v14, $0x2;
	v14 =	vand.u32 $0x7F, v14;
	v18 =	vor.u32 v2, v18  }
0x3c: {  	v61 =	vshll.u32 v15, $0x2;
	v15 =	vand.u32 $0x7F, v15;
	v20 =	vand.u32 $0xFFFFFE00, v20  }
0x3d: {  	v21 =	vand.u32 $0xFFFFFE00, v61;
	v14 =	vor.u32 v20, v14;
	v20 =	vshll.u32 v17, $0x2  }
0x3e: {  	v17 =	vand.u32 $0x7F, v17;
	v62 =	vshll.u32 v16, $0x2;
	v16 =	vand.u32 $0x7F, v16  }
0x3f: {  	v15 =	vor.u32 v21, v15;
	v14 =	vor.u32 v2, v14;
	v20 =	vand.u32 $0xFFFFFE00, v20  }
0x40: {  	v12 =	vld.idx.msk [tilespmem:v12+s3+$0x0], $0xffff;
	v21 =	vand.u32 $0xFFFFFE00, v62;
	v15 =	vor.u32 v2, v15;
	v17 =	vor.u32 v20, v17  }
0x41: {  	v13 =	vld.idx.msk [tilespmem:v13+s3+$0x0], $0xffff;
	v16 =	vor.u32 v21, v16;
	v17 =	vor.u32 v2, v17  }
0x42: {  	v19 =	vld.idx.msk [tilespmem:v19+s3+$0x0], $0xffff;
	v16 =	vor.u32 v2, v16  }
0x43: {  	[tilespmem:s1+$0x0] =	vst v10;
	v10 =	vld.idx.msk [tilespmem:v18+s3+$0x0], $0xffff  }
0x44: {  	s0 =	sadd.s32 $0x20, s0;
	[tilespmem:s1+$0xFFFFFFF0] =	vst v11;
	v11 =	vld.idx.msk [tilespmem:v14+s3+$0x0], $0xffff  }
0x45: {  	[tilespmem:s0+$0x0] =	vst v12;
	v12 =	vld.idx.msk [tilespmem:v15+s3+$0x0], $0xffff  }
0x46: {  	s2 =	sadd.s32 $0x20, s0;
	[tilespmem:s0+$0xFFFFFFF0] =	vst v13;
	v13 =	vld.idx.msk [tilespmem:v17+s3+$0x0], $0xffff  }
0x47: {  	[tilespmem:s2+$0x0] =	vst v19;
	v14 =	vld.idx.msk [tilespmem:v16+s3+$0x0], $0xffff  }
0x48: {  	s4 =	sadd.s32 $0x20, s2;
	[tilespmem:s2+$0xFFFFFFF0] =	vst v10  }
0x49: {  	[tilespmem:s4+$0x0] =	vst v11  }
0x4a: {  	s19 =	sadd.s32 $0x20, s4;
	[tilespmem:s4+$0xFFFFFFF0] =	vst v12  }
0x4b: {  	[tilespmem:s19+$0x0] =	vst v13  }
0x4c: {  	[tilespmem:s19+$0xFFFFFFF0] =	vst v14  }
0x4d: {  	_ =	swait.ge [sflag:s22], $0x1400  }
0x4e: {  	[sflag:s22] =	ssyncset.done $0x0  }
0x4f: {  	s31 =	simm.s32 $0x0;
	[sflag:s22] =	ssyncadd.s32 $0xFFFFEC00  }
0x50: {  	[tilespmem:s18], [sflag:$0x1] =	stream.strided.gather [hbm4b:s7+s16], $0x1400, s17, s16, $0x38;
	[tilespmem:$0x6280] =	vst v63  }
0x51: {  	v10 =	vld [tilespmem:s31+$0x1080];
	_ =	sdelay $0x4  }
0x52: {  	v10 =	vadd.s32 v1, v10  }
0x53: {  	v11 =	vld [tilespmem:s31+$0x1090];
	_ =	sdelay $0x3  }
0x54: {  	v10 =	vld.idx.msk [tilespmem:v10+s23+$0x0], $0xffff  }
0x55: {  	v11 =	vadd.s32 v3, v11  }
0x56: {  	s0 =	simm.s32 $0x80;
	v12 =	vld [tilespmem:s31+$0x10A0]  }
0x57: {  	v13 =	vld [tilespmem:s0+$0x1080];
	_ =	sdelay $0x1  }
0x58: {  	[tilespmem:s31+$0x3A80] =	vst v10  }
0x59: {  	v10 =	vld.idx.msk [tilespmem:v11+s23+$0x0], $0xffff  }
0x5a: {  	v11 =	vadd.s32 v4, v12  }
0x5b: {  	v12 =	vadd.s32 v1, v13;
	v13 =	vld [tilespmem:s31+$0x10B0];
	_ =	sdelay $0x1  }
0x5c: {  	v14 =	vld [tilespmem:s0+$0x1090]  }
0x5d: {  	[tilespmem:s31+$0x3A90] =	vst v10  }
0x5e: {  	v10 =	vld.idx.msk [tilespmem:v11+s23+$0x0], $0xffff  }
0x5f: {  	v11 =	vld.idx.msk [tilespmem:v12+s23+$0x0], $0xffff;
	v12 =	vadd.s32 v5, v13;
	_ =	sdelay $0x1  }
0x60: {  	v14 =	vadd.s32 v3, v14;
	v13 =	vld [tilespmem:s31+$0x10C0];
	_ =	sdelay $0x1  }
0x61: {  	v15 =	vld [tilespmem:s0+$0x10A0];
	[tilespmem:s31+$0x3AA0] =	vst v10  }
0x62: {  	s1 =	simm.s32 $0x100;
	v10 =	vld.idx.msk [tilespmem:v12+s23+$0x0], $0xffff  }
0x63: {  	[tilespmem:s0+$0x3A80] =	vst v11;
	v12 =	vld [tilespmem:s1+$0x1080]  }
0x64: {  	v11 =	vadd.s32 v6, v13;
	v13 =	vld.idx.msk [tilespmem:v14+s23+$0x0], $0xffff  }
0x65: {  	v14 =	vld [tilespmem:s31+$0x10D0]  }
0x66: {  	v15 =	vadd.s32 v4, v15  }
0x67: {  	v17 =	vld [tilespmem:s0+$0x10B0]  }
0x68: {  	v16 =	vld [tilespmem:s31+$0x10F0];
	[tilespmem:s31+$0x3AB0] =	vst v10  }
0x69: {  	v10 =	vadd.s32 v1, v12;
	v11 =	vld.idx.msk [tilespmem:v11+s23+$0x0], $0xffff  }
0x6a: {  	v12 =	vld [tilespmem:s1+$0x1090];
	[tilespmem:s0+$0x3A90] =	vst v13;
	v13 =	vadd.s32 v7, v14  }
0x6b: {  	v14 =	vld.idx.msk [tilespmem:v15+s23+$0x0], $0xffff  }
0x6c: {  	v17 =	vadd.s32 v5, v17;
	v15 =	vld [tilespmem:s31+$0x10E0]  }
0x6d: {  	v18 =	vld [tilespmem:s0+$0x10C0]  }
0x6e: {  	v10 =	vld.idx.msk [tilespmem:v10+s23+$0x0], $0xffff;
	[tilespmem:s31+$0x3AC0] =	vst v11  }
0x6f: {  	v11 =	vld.idx.msk [tilespmem:v13+s23+$0x0], $0xffff  }
0x70: {  	v12 =	vadd.s32 v3, v12;
	[tilespmem:s0+$0x3AA0] =	vst v14;
	v13 =	vld [tilespmem:s1+$0x10A0]  }
0x71: {  	s2 =	simm.s32 $0x180;
	v15 =	vadd.s32 v8, v15;
	v14 =	vld.idx.msk [tilespmem:v17+s23+$0x0], $0xffff  }
0x72: {  	v17 =	vld [tilespmem:s2+$0x1080]  }
0x73: {  	v19 =	vld [tilespmem:s0+$0x10D0]  }
0x74: {  	v20 =	vld [tilespmem:s2+$0x1090];
	v18 =	vadd.s32 v6, v18;
	[tilespmem:s1+$0x3A80] =	vst v10  }
0x75: {  	v12 =	vld.idx.msk [tilespmem:v12+s23+$0x0], $0xffff;
	[tilespmem:s31+$0x3AD0] =	vst v11  }
0x76: {  	v13 =	vadd.s32 v4, v13;
	v11 =	vld.idx.msk [tilespmem:v15+s23+$0x0], $0xffff  }
0x77: {  	v15 =	vadd.s32 v1, v17;
	v17 =	vld [tilespmem:s1+$0x10B0]  }
0x78: {  	v10 =	vld [tilespmem:s0+$0x10F0];
	[tilespmem:s0+$0x3AB0] =	vst v14  }
0x79: {  	v14 =	vld.idx.msk [tilespmem:v18+s23+$0x0], $0xffff;
	v18 =	vadd.s32 v9, v16  }
0x7a: {  	[tilespmem:s1+$0x3A90] =	vst v12;
	v12 =	vadd.s32 v7, v19;
	v19 =	vld [tilespmem:s0+$0x10E0]  }
0x7b: {  	v13 =	vld.idx.msk [tilespmem:v13+s23+$0x0], $0xffff  }
0x7c: {  	v16 =	vld.idx.msk [tilespmem:v15+s23+$0x0], $0xffff;
	v63 =	vadd.s32 v5, v17  }
0x7d: {  	[tilespmem:s31+$0x3AE0] =	vst v11;
	v15 =	vld [tilespmem:s1+$0x10C0]  }
0x7e: {  	v11 =	vld.idx.msk [tilespmem:v18+s23+$0x0], $0xffff;
	v18 =	vadd.s32 v3, v20  }
0x7f: {  	[tilespmem:s0+$0x3AC0] =	vst v14;
	v17 =	vld [tilespmem:s2+$0x10A0]  }
0x80: {  	v12 =	vld.idx.msk [tilespmem:v12+s23+$0x0], $0xffff;
	[tilespmem:s1+$0x3AA0] =	vst v13  }
0x81: {  	s4 =	simm.s32 $0x200;
	s19 =	simm.s32 $0xA00;
	v13 =	vadd.s32 v8, v19;
	v14 =	vld.idx.msk [tilespmem:v63+s23+$0x0], $0xffff  }
.LBB2_4:
0x82: {  	p0 =	sne.s32 s19, $0x4E00;
	v19 =	vld [tilespmem:s4+$0x1080];
	[tilespmem:s2+$0x3A80] =	vst v16  }
0x83: {  	v16 =	vld.idx.msk [tilespmem:v18+s23+$0x0], $0xffff;
	v15 =	vadd.s32 v6, v15;
	[tilespmem:s31+$0x3AF0] =	vst v11;
	s31 =	smov.u32 s0;
	s0 =	smov.u32 s1;
	s1 =	smov.u32 s2  }
0x84: {  	s2 =	smov.u32 s4;
	v11 =	vld [tilespmem:s0+$0x10F0]  }
0x85: {  	v17 =	vadd.s32 v4, v17;
	v18 =	vld [tilespmem:s0+$0x10D0];
	[tilespmem:s31+$0x3AD0] =	vst v12  }
0x86: {  	v12 =	vld.idx.msk [tilespmem:v13+s23+$0x0], $0xffff  }
0x87: {  	v13 =	vadd.s32 v1, v19;
	v19 =	vld [tilespmem:s1+$0x10B0];
	[tilespmem:s0+$0x3AB0] =	vst v14  }
0x88: {  	v14 =	vld.idx.msk [tilespmem:v15+s23+$0x0], $0xffff;
	v15 =	vadd.s32 v9, v10  }
0x89: {  	v20 =	vld [tilespmem:s2+$0x1090];
	[tilespmem:s1+$0x3A90] =	vst v16;
	v10 =	vmov v11  }
0x8a: {  	v21 =	vld.idx.msk [tilespmem:v17+s23+$0x0], $0xffff;
	v17 =	vadd.s32 v7, v18  }
0x8b: {  	v22 =	vld [tilespmem:s0+$0x10E0]  }
0x8c: {  	v16 =	vld.idx.msk [tilespmem:v13+s23+$0x0], $0xffff;
	v13 =	vadd.s32 v5, v19;
	[tilespmem:s31+$0x3AE0] =	vst v12  }
.Ltmp1:
0x8d: {  	v11 =	vld.idx.msk [tilespmem:v15+s23+$0x0], $0xffff;
	(pc) =	sbr.rel @p0 .LBB2_4-.Ltmp1, $4  }
0x8e: {  	v18 =	vadd.s32 v3, v20;
	v15 =	vld [tilespmem:s1+$0x10C0];
	[tilespmem:s0+$0x3AC0] =	vst v14  }
0x8f: {  	v12 =	vld.idx.msk [tilespmem:v17+s23+$0x0], $0xffff  }
0x90: {  	v17 =	vld [tilespmem:s2+$0x10A0];
	[tilespmem:s1+$0x3AA0] =	vst v21  }
0x91: {  	s4 =	sshra.s32 s19, $0x2;
	s19 =	sadd.s32 $0x200, s19;
	v14 =	vld.idx.msk [tilespmem:v13+s23+$0x0], $0xffff;
	v13 =	vadd.s32 v8, v22  }
0x92: {  	v19 =	vld [tilespmem:s4+$0x1080];
	_ =	sdelay $0x4  }
0x93: {  	v19 =	vadd.s32 v1, v19  }
0x94: {  	v20 =	vld [tilespmem:s4+$0x1090];
	_ =	sdelay $0x3  }
0x95: {  	v19 =	vld.idx.msk [tilespmem:v19+s23+$0x0], $0xffff  }
0x96: {  	v20 =	vadd.s32 v3, v20  }
0x97: {  	v21 =	vld [tilespmem:s4+$0x10A0];
	_ =	sdelay $0x1  }
0x98: {  	[tilespmem:s2+$0x3A80] =	vst v16  }
0x99: {  	v16 =	vld.idx.msk [tilespmem:v18+s23+$0x0], $0xffff;
	[tilespmem:s4+$0x3A80] =	vst v19  }
0x9a: {  	v17 =	vadd.s32 v4, v17;
	v18 =	vld.idx.msk [tilespmem:v20+s23+$0x0], $0xffff  }
0x9b: {  	v19 =	vld [tilespmem:s2+$0x10B0];
	v20 =	vadd.s32 v4, v21  }
0x9c: {  	v61 =	vld [tilespmem:s4+$0x10B0];
	_ =	sdelay $0x1  }
0x9d: {  	[tilespmem:s2+$0x3A90] =	vst v16  }
0x9e: {  	v16 =	vld.idx.msk [tilespmem:v17+s23+$0x0], $0xffff;
	[tilespmem:s4+$0x3A90] =	vst v18  }
0x9f: {  	v17 =	vadd.s32 v5, v19;
	v18 =	vld.idx.msk [tilespmem:v20+s23+$0x0], $0xffff  }
0xa0: {  	v19 =	vld [tilespmem:s2+$0x10C0];
	v20 =	vadd.s32 v5, v61  }
0xa1: {  	[tilespmem:s1+$0x3AB0] =	vst v14;
	v14 =	vld [tilespmem:s4+$0x10C0];
	_ =	sdelay $0x1  }
0xa2: {  	v23 =	vld [tilespmem:s1+$0x10D0];
	[tilespmem:s2+$0x3AA0] =	vst v16  }
0xa3: {  	v15 =	vadd.s32 v6, v15;
	v16 =	vld.idx.msk [tilespmem:v17+s23+$0x0], $0xffff;
	[tilespmem:s4+$0x3AA0] =	vst v18  }
0xa4: {  	v17 =	vadd.s32 v6, v19;
	v18 =	vld.idx.msk [tilespmem:v20+s23+$0x0], $0xffff  }
0xa5: {  	v14 =	vadd.s32 v6, v14;
	v19 =	vld [tilespmem:s2+$0x10D0]  }
0xa6: {  	v20 =	vld [tilespmem:s4+$0x10D0]  }
0xa7: {  	v62 =	vld [tilespmem:s1+$0x10E0]  }
0xa8: {  	v15 =	vld.idx.msk [tilespmem:v15+s23+$0x0], $0xffff;
	[tilespmem:s2+$0x3AB0] =	vst v16  }
0xa9: {  	v23 =	vadd.s32 v7, v23;
	v17 =	vld.idx.msk [tilespmem:v17+s23+$0x0], $0xffff;
	[tilespmem:s4+$0x3AB0] =	vst v18  }
0xaa: {  	v18 =	vadd.s32 v7, v19;
	v14 =	vld.idx.msk [tilespmem:v14+s23+$0x0], $0xffff  }
0xab: {  	v19 =	vld [tilespmem:s2+$0x10E0];
	v20 =	vadd.s32 v7, v20  }
0xac: {  	v25 =	vld [tilespmem:s4+$0x10E0]  }
0xad: {  	v22 =	vld [tilespmem:s1+$0x10F0];
	[tilespmem:s1+$0x3AC0] =	vst v15  }
0xae: {  	v15 =	vld.idx.msk [tilespmem:v23+s23+$0x0], $0xffff;
	[tilespmem:s2+$0x3AC0] =	vst v17  }
0xaf: {  	v17 =	vld.idx.msk [tilespmem:v18+s23+$0x0], $0xffff;
	[tilespmem:s4+$0x3AC0] =	vst v14;
	v14 =	vadd.s32 v8, v62  }
0xb0: {  	v18 =	vadd.s32 v8, v19;
	v19 =	vld.idx.msk [tilespmem:v20+s23+$0x0], $0xffff  }
0xb1: {  	v24 =	vld [tilespmem:s2+$0x10F0];
	v20 =	vadd.s32 v8, v25  }
0xb2: {  	[tilespmem:s0+$0x3AD0] =	vst v12;
	v16 =	vld [tilespmem:s4+$0x10F0]  }
0xb3: {  	v12 =	vld.idx.msk [tilespmem:v13+s23+$0x0], $0xffff;
	[tilespmem:s1+$0x3AD0] =	vst v15  }
0xb4: {  	v10 =	vadd.s32 v9, v10;
	[tilespmem:s2+$0x3AD0] =	vst v17;
	v13 =	vld.idx.msk [tilespmem:v14+s23+$0x0], $0xffff  }
0xb5: {  	v14 =	vadd.s32 v9, v22;
	v15 =	vld.idx.msk [tilespmem:v18+s23+$0x0], $0xffff;
	[tilespmem:s4+$0x3AD0] =	vst v19  }
0xb6: {  	v17 =	vadd.s32 v9, v24;
	v18 =	vld.idx.msk [tilespmem:v20+s23+$0x0], $0xffff  }
0xb7: {  	v16 =	vadd.s32 v9, v16  }
0xb8: {  	[tilespmem:s0+$0x3AE0] =	vst v12  }
0xb9: {  	v10 =	vld.idx.msk [tilespmem:v10+s23+$0x0], $0xffff;
	[tilespmem:s1+$0x3AE0] =	vst v13  }
0xba: {  	[tilespmem:s2+$0x3AE0] =	vst v15;
	v12 =	vld.idx.msk [tilespmem:v14+s23+$0x0], $0xffff  }
0xbb: {  	v13 =	vld.idx.msk [tilespmem:v17+s23+$0x0], $0xffff;
	[tilespmem:s4+$0x3AE0] =	vst v18  }
0xbc: {  	v14 =	vld.idx.msk [tilespmem:v16+s23+$0x0], $0xffff  }
0xbd: {  	[tilespmem:s31+$0x3AF0] =	vst v11  }
0xbe: {  	[tilespmem:s0+$0x3AF0] =	vst v10  }
0xbf: {  	[tilespmem:s1+$0x3AF0] =	vst v12  }
0xc0: {  	[tilespmem:s2+$0x3AF0] =	vst v13  }
0xc1: {  	[tilespmem:s4+$0x3AF0] =	vst v14  }
0xc2: {  	[hbm4b:s8+s16] =	stream.strided.scatter [tilespmem:s24], [sflag:$0x3], $0x1400, s17, s16, $0x38;
	[tilespmem:$0x6280] =	vst v63  }
0xc3: {  	_ =	swait.ge [sflag:s25], $0x1400  }
0xc4: {  	[sflag:s25] =	ssyncset.done $0x0  }
0xc5: {  	s19 =	simm.s32 $0x2480;
	s31 =	simm.s32 $0x0;
	[sflag:s25] =	ssyncadd.s32 $0xFFFFEC00  }
0xc6: {  	[tilespmem:s19], [sflag:$0x2] =	stream.strided.gather [hbm4b:s9+s16], $0x1400, s17, s16, $0x38;
	[tilespmem:$0x6280] =	vst v63  }
0xc7: {  	v10 =	vld [tilespmem:s31+$0x2480];
	_ =	sdelay $0x4  }
0xc8: {  	v10 =	vadd.s32 v1, v10  }
0xc9: {  	v11 =	vld [tilespmem:s31+$0x2490];
	_ =	sdelay $0x3  }
0xca: {  	v10 =	vld.idx.msk [tilespmem:v10+s23+$0x0], $0xffff  }
0xcb: {  	v11 =	vadd.s32 v3, v11  }
0xcc: {  	s0 =	simm.s32 $0x80;
	v12 =	vld [tilespmem:s31+$0x24A0]  }
0xcd: {  	v13 =	vld [tilespmem:s0+$0x2480];
	_ =	sdelay $0x1  }
0xce: {  	[tilespmem:s31+$0x4E80] =	vst v10  }
0xcf: {  	v10 =	vld.idx.msk [tilespmem:v11+s23+$0x0], $0xffff  }
0xd0: {  	v11 =	vadd.s32 v4, v12  }
0xd1: {  	v12 =	vadd.s32 v1, v13;
	v13 =	vld [tilespmem:s31+$0x24B0];
	_ =	sdelay $0x1  }
0xd2: {  	v14 =	vld [tilespmem:s0+$0x2490]  }
0xd3: {  	[tilespmem:s31+$0x4E90] =	vst v10  }
0xd4: {  	v10 =	vld.idx.msk [tilespmem:v11+s23+$0x0], $0xffff  }
0xd5: {  	v11 =	vld.idx.msk [tilespmem:v12+s23+$0x0], $0xffff;
	v12 =	vadd.s32 v5, v13;
	_ =	sdelay $0x1  }
0xd6: {  	v14 =	vadd.s32 v3, v14;
	v13 =	vld [tilespmem:s31+$0x24C0];
	_ =	sdelay $0x1  }
0xd7: {  	v15 =	vld [tilespmem:s0+$0x24A0];
	[tilespmem:s31+$0x4EA0] =	vst v10  }
0xd8: {  	s1 =	simm.s32 $0x100;
	v10 =	vld.idx.msk [tilespmem:v12+s23+$0x0], $0xffff  }
0xd9: {  	[tilespmem:s0+$0x4E80] =	vst v11;
	v12 =	vld [tilespmem:s1+$0x2480]  }
0xda: {  	v11 =	vadd.s32 v6, v13;
	v13 =	vld.idx.msk [tilespmem:v14+s23+$0x0], $0xffff  }
0xdb: {  	v14 =	vld [tilespmem:s31+$0x24D0]  }
0xdc: {  	v15 =	vadd.s32 v4, v15  }
0xdd: {  	v17 =	vld [tilespmem:s0+$0x24B0]  }
0xde: {  	v16 =	vld [tilespmem:s31+$0x24F0];
	[tilespmem:s31+$0x4EB0] =	vst v10  }
0xdf: {  	v10 =	vadd.s32 v1, v12;
	v11 =	vld.idx.msk [tilespmem:v11+s23+$0x0], $0xffff  }
0xe0: {  	v12 =	vld [tilespmem:s1+$0x2490];
	[tilespmem:s0+$0x4E90] =	vst v13;
	v13 =	vadd.s32 v7, v14  }
0xe1: {  	v14 =	vld.idx.msk [tilespmem:v15+s23+$0x0], $0xffff  }
0xe2: {  	v17 =	vadd.s32 v5, v17;
	v15 =	vld [tilespmem:s31+$0x24E0]  }
0xe3: {  	v18 =	vld [tilespmem:s0+$0x24C0]  }
0xe4: {  	v10 =	vld.idx.msk [tilespmem:v10+s23+$0x0], $0xffff;
	[tilespmem:s31+$0x4EC0] =	vst v11  }
0xe5: {  	v11 =	vld.idx.msk [tilespmem:v13+s23+$0x0], $0xffff  }
0xe6: {  	v12 =	vadd.s32 v3, v12;
	[tilespmem:s0+$0x4EA0] =	vst v14;
	v13 =	vld [tilespmem:s1+$0x24A0]  }
0xe7: {  	s2 =	simm.s32 $0x180;
	v15 =	vadd.s32 v8, v15;
	v14 =	vld.idx.msk [tilespmem:v17+s23+$0x0], $0xffff  }
0xe8: {  	v17 =	vld [tilespmem:s2+$0x2480]  }
0xe9: {  	v19 =	vld [tilespmem:s0+$0x24D0]  }
0xea: {  	v20 =	vld [tilespmem:s2+$0x2490];
	v18 =	vadd.s32 v6, v18;
	[tilespmem:s1+$0x4E80] =	vst v10  }
0xeb: {  	v12 =	vld.idx.msk [tilespmem:v12+s23+$0x0], $0xffff;
	[tilespmem:s31+$0x4ED0] =	vst v11  }
0xec: {  	v13 =	vadd.s32 v4, v13;
	v11 =	vld.idx.msk [tilespmem:v15+s23+$0x0], $0xffff  }
0xed: {  	v15 =	vadd.s32 v1, v17;
	v17 =	vld [tilespmem:s1+$0x24B0]  }
0xee: {  	v10 =	vld [tilespmem:s0+$0x24F0];
	[tilespmem:s0+$0x4EB0] =	vst v14  }
0xef: {  	v14 =	vld.idx.msk [tilespmem:v18+s23+$0x0], $0xffff;
	v18 =	vadd.s32 v9, v16  }
0xf0: {  	[tilespmem:s1+$0x4E90] =	vst v12;
	v12 =	vadd.s32 v7, v19;
	v19 =	vld [tilespmem:s0+$0x24E0]  }
0xf1: {  	v13 =	vld.idx.msk [tilespmem:v13+s23+$0x0], $0xffff  }
0xf2: {  	v16 =	vld.idx.msk [tilespmem:v15+s23+$0x0], $0xffff;
	v63 =	vadd.s32 v5, v17  }
0xf3: {  	[tilespmem:s31+$0x4EE0] =	vst v11;
	v15 =	vld [tilespmem:s1+$0x24C0]  }
0xf4: {  	v11 =	vld.idx.msk [tilespmem:v18+s23+$0x0], $0xffff;
	v18 =	vadd.s32 v3, v20  }
0xf5: {  	[tilespmem:s0+$0x4EC0] =	vst v14;
	v17 =	vld [tilespmem:s2+$0x24A0]  }
0xf6: {  	v12 =	vld.idx.msk [tilespmem:v12+s23+$0x0], $0xffff;
	[tilespmem:s1+$0x4EA0] =	vst v13  }
0xf7: {  	s4 =	simm.s32 $0x200;
	s19 =	simm.s32 $0xA00;
	v13 =	vadd.s32 v8, v19;
	v14 =	vld.idx.msk [tilespmem:v63+s23+$0x0], $0xffff  }
.LBB2_6:
0xf8: {  	p0 =	sne.s32 s19, $0x4E00;
	v19 =	vld [tilespmem:s4+$0x2480];
	[tilespmem:s2+$0x4E80] =	vst v16  }
0xf9: {  	v16 =	vld.idx.msk [tilespmem:v18+s23+$0x0], $0xffff;
	v15 =	vadd.s32 v6, v15;
	[tilespmem:s31+$0x4EF0] =	vst v11;
	s31 =	smov.u32 s0;
	s0 =	smov.u32 s1;
	s1 =	smov.u32 s2  }
0xfa: {  	s2 =	smov.u32 s4;
	v11 =	vld [tilespmem:s0+$0x24F0]  }
0xfb: {  	v17 =	vadd.s32 v4, v17;
	v18 =	vld [tilespmem:s0+$0x24D0];
	[tilespmem:s31+$0x4ED0] =	vst v12  }
0xfc: {  	v12 =	vld.idx.msk [tilespmem:v13+s23+$0x0], $0xffff  }
0xfd: {  	v13 =	vadd.s32 v1, v19;
	v19 =	vld [tilespmem:s1+$0x24B0];
	[tilespmem:s0+$0x4EB0] =	vst v14  }
0xfe: {  	v14 =	vld.idx.msk [tilespmem:v15+s23+$0x0], $0xffff;
	v15 =	vadd.s32 v9, v10  }
0xff: {  	v20 =	vld [tilespmem:s2+$0x2490];
	[tilespmem:s1+$0x4E90] =	vst v16;
	v10 =	vmov v11  }
0x100: {  	v21 =	vld.idx.msk [tilespmem:v17+s23+$0x0], $0xffff;
	v17 =	vadd.s32 v7, v18  }
0x101: {  	v22 =	vld [tilespmem:s0+$0x24E0]  }
0x102: {  	v16 =	vld.idx.msk [tilespmem:v13+s23+$0x0], $0xffff;
	v13 =	vadd.s32 v5, v19;
	[tilespmem:s31+$0x4EE0] =	vst v12  }
.Ltmp2:
0x103: {  	v11 =	vld.idx.msk [tilespmem:v15+s23+$0x0], $0xffff;
	(pc) =	sbr.rel @p0 .LBB2_6-.Ltmp2, $4  }
0x104: {  	v18 =	vadd.s32 v3, v20;
	v15 =	vld [tilespmem:s1+$0x24C0];
	[tilespmem:s0+$0x4EC0] =	vst v14  }
0x105: {  	v12 =	vld.idx.msk [tilespmem:v17+s23+$0x0], $0xffff  }
0x106: {  	v17 =	vld [tilespmem:s2+$0x24A0];
	[tilespmem:s1+$0x4EA0] =	vst v21  }
0x107: {  	s4 =	sshra.s32 s19, $0x2;
	s19 =	sadd.s32 $0x200, s19;
	v14 =	vld.idx.msk [tilespmem:v13+s23+$0x0], $0xffff;
	v13 =	vadd.s32 v8, v22  }
0x108: {  	v19 =	vld [tilespmem:s4+$0x2480];
	_ =	sdelay $0x4  }
0x109: {  	v19 =	vadd.s32 v1, v19  }
0x10a: {  	v20 =	vld [tilespmem:s4+$0x2490];
	_ =	sdelay $0x3  }
0x10b: {  	v19 =	vld.idx.msk [tilespmem:v19+s23+$0x0], $0xffff  }
0x10c: {  	v20 =	vadd.s32 v3, v20  }
0x10d: {  	v21 =	vld [tilespmem:s4+$0x24A0];
	_ =	sdelay $0x1  }
0x10e: {  	[tilespmem:s2+$0x4E80] =	vst v16  }
0x10f: {  	v16 =	vld.idx.msk [tilespmem:v18+s23+$0x0], $0xffff;
	[tilespmem:s4+$0x4E80] =	vst v19  }
0x110: {  	v17 =	vadd.s32 v4, v17;
	v18 =	vld.idx.msk [tilespmem:v20+s23+$0x0], $0xffff  }
0x111: {  	v19 =	vld [tilespmem:s2+$0x24B0];
	v20 =	vadd.s32 v4, v21  }
0x112: {  	v61 =	vld [tilespmem:s4+$0x24B0];
	_ =	sdelay $0x1  }
0x113: {  	[tilespmem:s2+$0x4E90] =	vst v16  }
0x114: {  	v16 =	vld.idx.msk [tilespmem:v17+s23+$0x0], $0xffff;
	[tilespmem:s4+$0x4E90] =	vst v18  }
0x115: {  	v17 =	vadd.s32 v5, v19;
	v18 =	vld.idx.msk [tilespmem:v20+s23+$0x0], $0xffff  }
0x116: {  	v19 =	vld [tilespmem:s2+$0x24C0];
	v20 =	vadd.s32 v5, v61  }
0x117: {  	[tilespmem:s1+$0x4EB0] =	vst v14;
	v14 =	vld [tilespmem:s4+$0x24C0];
	_ =	sdelay $0x1  }
0x118: {  	v23 =	vld [tilespmem:s1+$0x24D0];
	[tilespmem:s2+$0x4EA0] =	vst v16  }
0x119: {  	v15 =	vadd.s32 v6, v15;
	v16 =	vld.idx.msk [tilespmem:v17+s23+$0x0], $0xffff;
	[tilespmem:s4+$0x4EA0] =	vst v18  }
0x11a: {  	v17 =	vadd.s32 v6, v19;
	v18 =	vld.idx.msk [tilespmem:v20+s23+$0x0], $0xffff  }
0x11b: {  	v14 =	vadd.s32 v6, v14;
	v19 =	vld [tilespmem:s2+$0x24D0]  }
0x11c: {  	v20 =	vld [tilespmem:s4+$0x24D0]  }
0x11d: {  	v62 =	vld [tilespmem:s1+$0x24E0]  }
0x11e: {  	v15 =	vld.idx.msk [tilespmem:v15+s23+$0x0], $0xffff;
	[tilespmem:s2+$0x4EB0] =	vst v16  }
0x11f: {  	v23 =	vadd.s32 v7, v23;
	v17 =	vld.idx.msk [tilespmem:v17+s23+$0x0], $0xffff;
	[tilespmem:s4+$0x4EB0] =	vst v18  }
0x120: {  	v18 =	vadd.s32 v7, v19;
	v14 =	vld.idx.msk [tilespmem:v14+s23+$0x0], $0xffff  }
0x121: {  	v19 =	vld [tilespmem:s2+$0x24E0];
	v20 =	vadd.s32 v7, v20  }
0x122: {  	v25 =	vld [tilespmem:s4+$0x24E0]  }
0x123: {  	v22 =	vld [tilespmem:s1+$0x24F0];
	[tilespmem:s1+$0x4EC0] =	vst v15  }
0x124: {  	v15 =	vld.idx.msk [tilespmem:v23+s23+$0x0], $0xffff;
	[tilespmem:s2+$0x4EC0] =	vst v17  }
0x125: {  	v17 =	vld.idx.msk [tilespmem:v18+s23+$0x0], $0xffff;
	[tilespmem:s4+$0x4EC0] =	vst v14;
	v14 =	vadd.s32 v8, v62  }
0x126: {  	v18 =	vadd.s32 v8, v19;
	v19 =	vld.idx.msk [tilespmem:v20+s23+$0x0], $0xffff  }
0x127: {  	v24 =	vld [tilespmem:s2+$0x24F0];
	v20 =	vadd.s32 v8, v25  }
0x128: {  	[tilespmem:s0+$0x4ED0] =	vst v12;
	v16 =	vld [tilespmem:s4+$0x24F0]  }
0x129: {  	v12 =	vld.idx.msk [tilespmem:v13+s23+$0x0], $0xffff;
	[tilespmem:s1+$0x4ED0] =	vst v15  }
0x12a: {  	v10 =	vadd.s32 v9, v10;
	[tilespmem:s2+$0x4ED0] =	vst v17;
	v13 =	vld.idx.msk [tilespmem:v14+s23+$0x0], $0xffff  }
0x12b: {  	v14 =	vadd.s32 v9, v22;
	v15 =	vld.idx.msk [tilespmem:v18+s23+$0x0], $0xffff;
	[tilespmem:s4+$0x4ED0] =	vst v19  }
0x12c: {  	v17 =	vadd.s32 v9, v24;
	v18 =	vld.idx.msk [tilespmem:v20+s23+$0x0], $0xffff  }
0x12d: {  	v16 =	vadd.s32 v9, v16  }
0x12e: {  	[tilespmem:s0+$0x4EE0] =	vst v12  }
0x12f: {  	v10 =	vld.idx.msk [tilespmem:v10+s23+$0x0], $0xffff;
	[tilespmem:s1+$0x4EE0] =	vst v13  }
0x130: {  	[tilespmem:s2+$0x4EE0] =	vst v15;
	v12 =	vld.idx.msk [tilespmem:v14+s23+$0x0], $0xffff  }
0x131: {  	v13 =	vld.idx.msk [tilespmem:v17+s23+$0x0], $0xffff;
	[tilespmem:s4+$0x4EE0] =	vst v18  }
0x132: {  	v14 =	vld.idx.msk [tilespmem:v16+s23+$0x0], $0xffff  }
0x133: {  	[tilespmem:s31+$0x4EF0] =	vst v11  }
0x134: {  	[tilespmem:s0+$0x4EF0] =	vst v10  }
0x135: {  	[tilespmem:s1+$0x4EF0] =	vst v12  }
0x136: {  	[tilespmem:s2+$0x4EF0] =	vst v13  }
0x137: {  	[tilespmem:s4+$0x4EF0] =	vst v14  }
0x138: {  	[hbm4b:s10+s16] =	stream.strided.scatter [tilespmem:s26], [sflag:$0x4], $0x1400, s17, s16, $0x38;
	[tilespmem:$0x6280] =	vst v63  }
0x139: {  	_ =	swait.ge [sflag:s22], $0x1400  }
0x13a: {  	[sflag:s22] =	ssyncset.done $0x0  }
0x13b: {  	[sflag:s22] =	ssyncadd.s32 $0xFFFFEC00  }
0x13c: {  	[tilespmem:s18], [sflag:$0x1] =	stream.strided.gather [hbm4b:s11+s16], $0x1400, s17, s16, $0x38;
	[tilespmem:$0x6280] =	vst v63  }
0x13d: {  	_ =	swait.ge [sflag:s28], $0x1400  }
0x13e: {  	[sflag:s28] =	ssyncset.done $0x0  }
0x13f: {  	s31 =	simm.s32 $0x0;
	[sflag:s28] =	ssyncadd.s32 $0xFFFFEC00  }
0x140: {  	v10 =	vld [tilespmem:s31+$0x1080];
	_ =	sdelay $0x4  }
0x141: {  	v10 =	vadd.s32 v1, v10  }
0x142: {  	v11 =	vld [tilespmem:s31+$0x1090];
	_ =	sdelay $0x3  }
0x143: {  	v10 =	vld.idx.msk [tilespmem:v10+s23+$0x0], $0xffff  }
0x144: {  	v11 =	vadd.s32 v3, v11  }
0x145: {  	s0 =	simm.s32 $0x80;
	v12 =	vld [tilespmem:s31+$0x10A0]  }
0x146: {  	v13 =	vld [tilespmem:s0+$0x1080];
	_ =	sdelay $0x1  }
0x147: {  	[tilespmem:s31+$0x3A80] =	vst v10  }
0x148: {  	v10 =	vld.idx.msk [tilespmem:v11+s23+$0x0], $0xffff  }
0x149: {  	v11 =	vadd.s32 v4, v12  }
0x14a: {  	v12 =	vadd.s32 v1, v13;
	v13 =	vld [tilespmem:s31+$0x10B0];
	_ =	sdelay $0x1  }
0x14b: {  	v14 =	vld [tilespmem:s0+$0x1090]  }
0x14c: {  	[tilespmem:s31+$0x3A90] =	vst v10  }
0x14d: {  	v10 =	vld.idx.msk [tilespmem:v11+s23+$0x0], $0xffff  }
0x14e: {  	v11 =	vld.idx.msk [tilespmem:v12+s23+$0x0], $0xffff;
	v12 =	vadd.s32 v5, v13;
	_ =	sdelay $0x1  }
0x14f: {  	v14 =	vadd.s32 v3, v14;
	v13 =	vld [tilespmem:s31+$0x10C0];
	_ =	sdelay $0x1  }
0x150: {  	v15 =	vld [tilespmem:s0+$0x10A0];
	[tilespmem:s31+$0x3AA0] =	vst v10  }
0x151: {  	s1 =	simm.s32 $0x100;
	v10 =	vld.idx.msk [tilespmem:v12+s23+$0x0], $0xffff  }
0x152: {  	[tilespmem:s0+$0x3A80] =	vst v11;
	v12 =	vld [tilespmem:s1+$0x1080]  }
0x153: {  	v11 =	vadd.s32 v6, v13;
	v13 =	vld.idx.msk [tilespmem:v14+s23+$0x0], $0xffff  }
0x154: {  	v14 =	vld [tilespmem:s31+$0x10D0]  }
0x155: {  	v15 =	vadd.s32 v4, v15  }
0x156: {  	v17 =	vld [tilespmem:s0+$0x10B0]  }
0x157: {  	v16 =	vld [tilespmem:s31+$0x10F0];
	[tilespmem:s31+$0x3AB0] =	vst v10  }
0x158: {  	v10 =	vadd.s32 v1, v12;
	v11 =	vld.idx.msk [tilespmem:v11+s23+$0x0], $0xffff  }
0x159: {  	v12 =	vld [tilespmem:s1+$0x1090];
	[tilespmem:s0+$0x3A90] =	vst v13;
	v13 =	vadd.s32 v7, v14  }
0x15a: {  	v14 =	vld.idx.msk [tilespmem:v15+s23+$0x0], $0xffff  }
0x15b: {  	v17 =	vadd.s32 v5, v17;
	v15 =	vld [tilespmem:s31+$0x10E0]  }
0x15c: {  	v18 =	vld [tilespmem:s0+$0x10C0]  }
0x15d: {  	v10 =	vld.idx.msk [tilespmem:v10+s23+$0x0], $0xffff;
	[tilespmem:s31+$0x3AC0] =	vst v11  }
0x15e: {  	v11 =	vld.idx.msk [tilespmem:v13+s23+$0x0], $0xffff  }
0x15f: {  	v12 =	vadd.s32 v3, v12;
	[tilespmem:s0+$0x3AA0] =	vst v14;
	v13 =	vld [tilespmem:s1+$0x10A0]  }
0x160: {  	s2 =	simm.s32 $0x180;
	v15 =	vadd.s32 v8, v15;
	v14 =	vld.idx.msk [tilespmem:v17+s23+$0x0], $0xffff  }
0x161: {  	v17 =	vld [tilespmem:s2+$0x1080]  }
0x162: {  	v19 =	vld [tilespmem:s0+$0x10D0]  }
0x163: {  	v20 =	vld [tilespmem:s2+$0x1090];
	v18 =	vadd.s32 v6, v18;
	[tilespmem:s1+$0x3A80] =	vst v10  }
0x164: {  	v12 =	vld.idx.msk [tilespmem:v12+s23+$0x0], $0xffff;
	[tilespmem:s31+$0x3AD0] =	vst v11  }
0x165: {  	v13 =	vadd.s32 v4, v13;
	v11 =	vld.idx.msk [tilespmem:v15+s23+$0x0], $0xffff  }
0x166: {  	v15 =	vadd.s32 v1, v17;
	v17 =	vld [tilespmem:s1+$0x10B0]  }
0x167: {  	v10 =	vld [tilespmem:s0+$0x10F0];
	[tilespmem:s0+$0x3AB0] =	vst v14  }
0x168: {  	v14 =	vld.idx.msk [tilespmem:v18+s23+$0x0], $0xffff;
	v18 =	vadd.s32 v9, v16  }
0x169: {  	[tilespmem:s1+$0x3A90] =	vst v12;
	v12 =	vadd.s32 v7, v19;
	v19 =	vld [tilespmem:s0+$0x10E0]  }
0x16a: {  	v13 =	vld.idx.msk [tilespmem:v13+s23+$0x0], $0xffff  }
0x16b: {  	v16 =	vld.idx.msk [tilespmem:v15+s23+$0x0], $0xffff;
	v63 =	vadd.s32 v5, v17  }
0x16c: {  	[tilespmem:s31+$0x3AE0] =	vst v11;
	v15 =	vld [tilespmem:s1+$0x10C0]  }
0x16d: {  	v11 =	vld.idx.msk [tilespmem:v18+s23+$0x0], $0xffff;
	v18 =	vadd.s32 v3, v20  }
0x16e: {  	[tilespmem:s0+$0x3AC0] =	vst v14;
	v17 =	vld [tilespmem:s2+$0x10A0]  }
0x16f: {  	v12 =	vld.idx.msk [tilespmem:v12+s23+$0x0], $0xffff;
	[tilespmem:s1+$0x3AA0] =	vst v13  }
0x170: {  	s19 =	simm.s32 $0xA00;
	s4 =	simm.s32 $0x200;
	v13 =	vadd.s32 v8, v19;
	v14 =	vld.idx.msk [tilespmem:v63+s23+$0x0], $0xffff  }
.LBB2_8:
0x171: {  	p0 =	sne.s32 s19, $0x4E00;
	v19 =	vld [tilespmem:s4+$0x1080];
	[tilespmem:s2+$0x3A80] =	vst v16  }
0x172: {  	v16 =	vld.idx.msk [tilespmem:v18+s23+$0x0], $0xffff;
	v15 =	vadd.s32 v6, v15;
	[tilespmem:s31+$0x3AF0] =	vst v11;
	s31 =	smov.u32 s0;
	s0 =	smov.u32 s1;
	s1 =	smov.u32 s2  }
0x173: {  	s2 =	smov.u32 s4;
	v11 =	vld [tilespmem:s0+$0x10F0]  }
0x174: {  	v17 =	vadd.s32 v4, v17;
	v18 =	vld [tilespmem:s0+$0x10D0];
	[tilespmem:s31+$0x3AD0] =	vst v12  }
0x175: {  	v12 =	vld.idx.msk [tilespmem:v13+s23+$0x0], $0xffff  }
0x176: {  	v13 =	vadd.s32 v1, v19;
	v19 =	vld [tilespmem:s1+$0x10B0];
	[tilespmem:s0+$0x3AB0] =	vst v14  }
0x177: {  	v14 =	vld.idx.msk [tilespmem:v15+s23+$0x0], $0xffff;
	v15 =	vadd.s32 v9, v10  }
0x178: {  	v20 =	vld [tilespmem:s2+$0x1090];
	[tilespmem:s1+$0x3A90] =	vst v16;
	v10 =	vmov v11  }
0x179: {  	v21 =	vld.idx.msk [tilespmem:v17+s23+$0x0], $0xffff;
	v17 =	vadd.s32 v7, v18  }
0x17a: {  	v22 =	vld [tilespmem:s0+$0x10E0]  }
0x17b: {  	v16 =	vld.idx.msk [tilespmem:v13+s23+$0x0], $0xffff;
	v13 =	vadd.s32 v5, v19;
	[tilespmem:s31+$0x3AE0] =	vst v12  }
.Ltmp3:
0x17c: {  	v11 =	vld.idx.msk [tilespmem:v15+s23+$0x0], $0xffff;
	(pc) =	sbr.rel @p0 .LBB2_8-.Ltmp3, $4  }
0x17d: {  	v18 =	vadd.s32 v3, v20;
	v15 =	vld [tilespmem:s1+$0x10C0];
	[tilespmem:s0+$0x3AC0] =	vst v14  }
0x17e: {  	v12 =	vld.idx.msk [tilespmem:v17+s23+$0x0], $0xffff  }
0x17f: {  	v17 =	vld [tilespmem:s2+$0x10A0];
	[tilespmem:s1+$0x3AA0] =	vst v21  }
0x180: {  	s4 =	sshra.s32 s19, $0x2;
	s19 =	sadd.s32 $0x200, s19;
	v14 =	vld.idx.msk [tilespmem:v13+s23+$0x0], $0xffff;
	v13 =	vadd.s32 v8, v22  }
0x181: {  	v19 =	vld [tilespmem:s4+$0x1080];
	_ =	sdelay $0x4  }
0x182: {  	v19 =	vadd.s32 v1, v19  }
0x183: {  	v20 =	vld [tilespmem:s4+$0x1090];
	_ =	sdelay $0x3  }
0x184: {  	v19 =	vld.idx.msk [tilespmem:v19+s23+$0x0], $0xffff  }
0x185: {  	v20 =	vadd.s32 v3, v20  }
0x186: {  	v21 =	vld [tilespmem:s4+$0x10A0];
	_ =	sdelay $0x1  }
0x187: {  	[tilespmem:s2+$0x3A80] =	vst v16  }
0x188: {  	v16 =	vld.idx.msk [tilespmem:v18+s23+$0x0], $0xffff;
	[tilespmem:s4+$0x3A80] =	vst v19  }
0x189: {  	v17 =	vadd.s32 v4, v17;
	v18 =	vld.idx.msk [tilespmem:v20+s23+$0x0], $0xffff  }
0x18a: {  	v19 =	vld [tilespmem:s2+$0x10B0];
	v20 =	vadd.s32 v4, v21  }
0x18b: {  	v61 =	vld [tilespmem:s4+$0x10B0];
	_ =	sdelay $0x1  }
0x18c: {  	[tilespmem:s2+$0x3A90] =	vst v16  }
0x18d: {  	v16 =	vld.idx.msk [tilespmem:v17+s23+$0x0], $0xffff;
	[tilespmem:s4+$0x3A90] =	vst v18  }
0x18e: {  	v17 =	vadd.s32 v5, v19;
	v18 =	vld.idx.msk [tilespmem:v20+s23+$0x0], $0xffff  }
0x18f: {  	v19 =	vld [tilespmem:s2+$0x10C0];
	v20 =	vadd.s32 v5, v61  }
0x190: {  	[tilespmem:s1+$0x3AB0] =	vst v14;
	v14 =	vld [tilespmem:s4+$0x10C0];
	_ =	sdelay $0x1  }
0x191: {  	v23 =	vld [tilespmem:s1+$0x10D0];
	[tilespmem:s2+$0x3AA0] =	vst v16  }
0x192: {  	v15 =	vadd.s32 v6, v15;
	v16 =	vld.idx.msk [tilespmem:v17+s23+$0x0], $0xffff;
	[tilespmem:s4+$0x3AA0] =	vst v18  }
0x193: {  	v17 =	vadd.s32 v6, v19;
	v18 =	vld.idx.msk [tilespmem:v20+s23+$0x0], $0xffff  }
0x194: {  	v14 =	vadd.s32 v6, v14;
	v19 =	vld [tilespmem:s2+$0x10D0]  }
0x195: {  	v20 =	vld [tilespmem:s4+$0x10D0]  }
0x196: {  	v62 =	vld [tilespmem:s1+$0x10E0]  }
0x197: {  	v15 =	vld.idx.msk [tilespmem:v15+s23+$0x0], $0xffff;
	[tilespmem:s2+$0x3AB0] =	vst v16  }
0x198: {  	v23 =	vadd.s32 v7, v23;
	v17 =	vld.idx.msk [tilespmem:v17+s23+$0x0], $0xffff;
	[tilespmem:s4+$0x3AB0] =	vst v18  }
0x199: {  	v18 =	vadd.s32 v7, v19;
	v14 =	vld.idx.msk [tilespmem:v14+s23+$0x0], $0xffff  }
0x19a: {  	v19 =	vld [tilespmem:s2+$0x10E0];
	v20 =	vadd.s32 v7, v20  }
0x19b: {  	v25 =	vld [tilespmem:s4+$0x10E0]  }
0x19c: {  	v22 =	vld [tilespmem:s1+$0x10F0];
	[tilespmem:s1+$0x3AC0] =	vst v15  }
0x19d: {  	v15 =	vld.idx.msk [tilespmem:v23+s23+$0x0], $0xffff;
	[tilespmem:s2+$0x3AC0] =	vst v17  }
0x19e: {  	v17 =	vld.idx.msk [tilespmem:v18+s23+$0x0], $0xffff;
	[tilespmem:s4+$0x3AC0] =	vst v14;
	v14 =	vadd.s32 v8, v62  }
0x19f: {  	v18 =	vadd.s32 v8, v19;
	v19 =	vld.idx.msk [tilespmem:v20+s23+$0x0], $0xffff  }
0x1a0: {  	v24 =	vld [tilespmem:s2+$0x10F0];
	v20 =	vadd.s32 v8, v25  }
0x1a1: {  	[tilespmem:s0+$0x3AD0] =	vst v12;
	v16 =	vld [tilespmem:s4+$0x10F0]  }
0x1a2: {  	v12 =	vld.idx.msk [tilespmem:v13+s23+$0x0], $0xffff;
	[tilespmem:s1+$0x3AD0] =	vst v15  }
0x1a3: {  	v10 =	vadd.s32 v9, v10;
	[tilespmem:s2+$0x3AD0] =	vst v17;
	v13 =	vld.idx.msk [tilespmem:v14+s23+$0x0], $0xffff  }
0x1a4: {  	v14 =	vadd.s32 v9, v22;
	v15 =	vld.idx.msk [tilespmem:v18+s23+$0x0], $0xffff;
	[tilespmem:s4+$0x3AD0] =	vst v19  }
0x1a5: {  	v17 =	vadd.s32 v9, v24;
	v18 =	vld.idx.msk [tilespmem:v20+s23+$0x0], $0xffff  }
0x1a6: {  	v16 =	vadd.s32 v9, v16  }
0x1a7: {  	[tilespmem:s0+$0x3AE0] =	vst v12  }
0x1a8: {  	v10 =	vld.idx.msk [tilespmem:v10+s23+$0x0], $0xffff;
	[tilespmem:s1+$0x3AE0] =	vst v13  }
0x1a9: {  	[tilespmem:s2+$0x3AE0] =	vst v15;
	v12 =	vld.idx.msk [tilespmem:v14+s23+$0x0], $0xffff  }
0x1aa: {  	v13 =	vld.idx.msk [tilespmem:v17+s23+$0x0], $0xffff;
	[tilespmem:s4+$0x3AE0] =	vst v18  }
0x1ab: {  	v14 =	vld.idx.msk [tilespmem:v16+s23+$0x0], $0xffff  }
0x1ac: {  	[tilespmem:s31+$0x3AF0] =	vst v11  }
0x1ad: {  	[tilespmem:s0+$0x3AF0] =	vst v10  }
0x1ae: {  	[tilespmem:s1+$0x3AF0] =	vst v12  }
0x1af: {  	[tilespmem:s2+$0x3AF0] =	vst v13  }
0x1b0: {  	[tilespmem:s4+$0x3AF0] =	vst v14  }
0x1b1: {  	[hbm4b:s12+s16] =	stream.strided.scatter [tilespmem:s24], [sflag:$0x3], $0x1400, s17, s16, $0x38;
	[tilespmem:$0x6280] =	vst v63  }
0x1b2: {  	_ =	swait.ge [sflag:s25], $0x1400  }
0x1b3: {  	[sflag:s25] =	ssyncset.done $0x0  }
0x1b4: {  	[sflag:s25] =	ssyncadd.s32 $0xFFFFEC00  }
0x1b5: {  	_ =	swait.ge [sflag:s29], $0x1400  }
0x1b6: {  	[sflag:s29] =	ssyncset.done $0x0  }
0x1b7: {  	s31 =	simm.s32 $0x0;
	[sflag:s29] =	ssyncadd.s32 $0xFFFFEC00  }
0x1b8: {  	v10 =	vld [tilespmem:s31+$0x2480];
	_ =	sdelay $0x4  }
0x1b9: {  	v10 =	vadd.s32 v1, v10  }
0x1ba: {  	v11 =	vld [tilespmem:s31+$0x2490];
	_ =	sdelay $0x3  }
0x1bb: {  	v10 =	vld.idx.msk [tilespmem:v10+s23+$0x0], $0xffff  }
0x1bc: {  	v11 =	vadd.s32 v3, v11  }
0x1bd: {  	s0 =	simm.s32 $0x80;
	v12 =	vld [tilespmem:s31+$0x24A0]  }
0x1be: {  	v13 =	vld [tilespmem:s0+$0x2480];
	_ =	sdelay $0x1  }
0x1bf: {  	[tilespmem:s31+$0x4E80] =	vst v10  }
0x1c0: {  	v10 =	vld.idx.msk [tilespmem:v11+s23+$0x0], $0xffff  }
0x1c1: {  	v11 =	vadd.s32 v4, v12  }
0x1c2: {  	v12 =	vadd.s32 v1, v13;
	v13 =	vld [tilespmem:s31+$0x24B0];
	_ =	sdelay $0x1  }
0x1c3: {  	v14 =	vld [tilespmem:s0+$0x2490]  }
0x1c4: {  	[tilespmem:s31+$0x4E90] =	vst v10  }
0x1c5: {  	v10 =	vld.idx.msk [tilespmem:v11+s23+$0x0], $0xffff  }
0x1c6: {  	v11 =	vld.idx.msk [tilespmem:v12+s23+$0x0], $0xffff;
	v12 =	vadd.s32 v5, v13;
	_ =	sdelay $0x1  }
0x1c7: {  	v14 =	vadd.s32 v3, v14;
	v13 =	vld [tilespmem:s31+$0x24C0];
	_ =	sdelay $0x1  }
0x1c8: {  	v15 =	vld [tilespmem:s0+$0x24A0];
	[tilespmem:s31+$0x4EA0] =	vst v10  }
0x1c9: {  	s1 =	simm.s32 $0x100;
	v10 =	vld.idx.msk [tilespmem:v12+s23+$0x0], $0xffff  }
0x1ca: {  	[tilespmem:s0+$0x4E80] =	vst v11;
	v12 =	vld [tilespmem:s1+$0x2480]  }
0x1cb: {  	v11 =	vadd.s32 v6, v13;
	v13 =	vld.idx.msk [tilespmem:v14+s23+$0x0], $0xffff  }
0x1cc: {  	v14 =	vld [tilespmem:s31+$0x24D0]  }
0x1cd: {  	v15 =	vadd.s32 v4, v15  }
0x1ce: {  	v17 =	vld [tilespmem:s0+$0x24B0]  }
0x1cf: {  	v16 =	vld [tilespmem:s31+$0x24F0];
	[tilespmem:s31+$0x4EB0] =	vst v10  }
0x1d0: {  	v10 =	vadd.s32 v1, v12;
	v11 =	vld.idx.msk [tilespmem:v11+s23+$0x0], $0xffff  }
0x1d1: {  	v12 =	vld [tilespmem:s1+$0x2490];
	[tilespmem:s0+$0x4E90] =	vst v13;
	v13 =	vadd.s32 v7, v14  }
0x1d2: {  	v14 =	vld.idx.msk [tilespmem:v15+s23+$0x0], $0xffff  }
0x1d3: {  	v17 =	vadd.s32 v5, v17;
	v15 =	vld [tilespmem:s31+$0x24E0]  }
0x1d4: {  	v18 =	vld [tilespmem:s0+$0x24C0]  }
0x1d5: {  	v10 =	vld.idx.msk [tilespmem:v10+s23+$0x0], $0xffff;
	[tilespmem:s31+$0x4EC0] =	vst v11  }
0x1d6: {  	v11 =	vld.idx.msk [tilespmem:v13+s23+$0x0], $0xffff  }
0x1d7: {  	v12 =	vadd.s32 v3, v12;
	[tilespmem:s0+$0x4EA0] =	vst v14;
	v13 =	vld [tilespmem:s1+$0x24A0]  }
0x1d8: {  	s2 =	simm.s32 $0x180;
	v15 =	vadd.s32 v8, v15;
	v14 =	vld.idx.msk [tilespmem:v17+s23+$0x0], $0xffff  }
0x1d9: {  	v17 =	vld [tilespmem:s2+$0x2480]  }
0x1da: {  	v19 =	vld [tilespmem:s0+$0x24D0]  }
0x1db: {  	v20 =	vld [tilespmem:s2+$0x2490];
	v18 =	vadd.s32 v6, v18;
	[tilespmem:s1+$0x4E80] =	vst v10  }
0x1dc: {  	v12 =	vld.idx.msk [tilespmem:v12+s23+$0x0], $0xffff;
	[tilespmem:s31+$0x4ED0] =	vst v11  }
0x1dd: {  	v13 =	vadd.s32 v4, v13;
	v11 =	vld.idx.msk [tilespmem:v15+s23+$0x0], $0xffff  }
0x1de: {  	v15 =	vadd.s32 v1, v17;
	v17 =	vld [tilespmem:s1+$0x24B0]  }
0x1df: {  	v10 =	vld [tilespmem:s0+$0x24F0];
	[tilespmem:s0+$0x4EB0] =	vst v14  }
0x1e0: {  	v14 =	vld.idx.msk [tilespmem:v18+s23+$0x0], $0xffff;
	v18 =	vadd.s32 v9, v16  }
0x1e1: {  	[tilespmem:s1+$0x4E90] =	vst v12;
	v12 =	vadd.s32 v7, v19;
	v19 =	vld [tilespmem:s0+$0x24E0]  }
0x1e2: {  	v13 =	vld.idx.msk [tilespmem:v13+s23+$0x0], $0xffff  }
0x1e3: {  	v16 =	vld.idx.msk [tilespmem:v15+s23+$0x0], $0xffff;
	v63 =	vadd.s32 v5, v17  }
0x1e4: {  	[tilespmem:s31+$0x4EE0] =	vst v11;
	v15 =	vld [tilespmem:s1+$0x24C0]  }
0x1e5: {  	v11 =	vld.idx.msk [tilespmem:v18+s23+$0x0], $0xffff;
	v18 =	vadd.s32 v3, v20  }
0x1e6: {  	[tilespmem:s0+$0x4EC0] =	vst v14;
	v17 =	vld [tilespmem:s2+$0x24A0]  }
0x1e7: {  	v12 =	vld.idx.msk [tilespmem:v12+s23+$0x0], $0xffff;
	[tilespmem:s1+$0x4EA0] =	vst v13  }
0x1e8: {  	s19 =	simm.s32 $0xA00;
	s4 =	simm.s32 $0x200;
	v13 =	vadd.s32 v8, v19;
	v14 =	vld.idx.msk [tilespmem:v63+s23+$0x0], $0xffff  }
.LBB2_10:
0x1e9: {  	p0 =	sne.s32 s19, $0x4E00;
	v19 =	vld [tilespmem:s4+$0x2480];
	[tilespmem:s2+$0x4E80] =	vst v16  }
0x1ea: {  	v16 =	vld.idx.msk [tilespmem:v18+s23+$0x0], $0xffff;
	v15 =	vadd.s32 v6, v15;
	[tilespmem:s31+$0x4EF0] =	vst v11;
	s31 =	smov.u32 s0;
	s0 =	smov.u32 s1;
	s1 =	smov.u32 s2  }
0x1eb: {  	s2 =	smov.u32 s4;
	v11 =	vld [tilespmem:s0+$0x24F0]  }
0x1ec: {  	v17 =	vadd.s32 v4, v17;
	v18 =	vld [tilespmem:s0+$0x24D0];
	[tilespmem:s31+$0x4ED0] =	vst v12  }
0x1ed: {  	v12 =	vld.idx.msk [tilespmem:v13+s23+$0x0], $0xffff  }
0x1ee: {  	v13 =	vadd.s32 v1, v19;
	v19 =	vld [tilespmem:s1+$0x24B0];
	[tilespmem:s0+$0x4EB0] =	vst v14  }
0x1ef: {  	v14 =	vld.idx.msk [tilespmem:v15+s23+$0x0], $0xffff;
	v15 =	vadd.s32 v9, v10  }
0x1f0: {  	v20 =	vld [tilespmem:s2+$0x2490];
	[tilespmem:s1+$0x4E90] =	vst v16;
	v10 =	vmov v11  }
0x1f1: {  	v21 =	vld.idx.msk [tilespmem:v17+s23+$0x0], $0xffff;
	v17 =	vadd.s32 v7, v18  }
0x1f2: {  	v22 =	vld [tilespmem:s0+$0x24E0]  }
0x1f3: {  	v16 =	vld.idx.msk [tilespmem:v13+s23+$0x0], $0xffff;
	v13 =	vadd.s32 v5, v19;
	[tilespmem:s31+$0x4EE0] =	vst v12  }
.Ltmp4:
0x1f4: {  	v11 =	vld.idx.msk [tilespmem:v15+s23+$0x0], $0xffff;
	(pc) =	sbr.rel @p0 .LBB2_10-.Ltmp4, $4  }
0x1f5: {  	v18 =	vadd.s32 v3, v20;
	v15 =	vld [tilespmem:s1+$0x24C0];
	[tilespmem:s0+$0x4EC0] =	vst v14  }
0x1f6: {  	v12 =	vld.idx.msk [tilespmem:v17+s23+$0x0], $0xffff  }
0x1f7: {  	v17 =	vld [tilespmem:s2+$0x24A0];
	[tilespmem:s1+$0x4EA0] =	vst v21  }
0x1f8: {  	s4 =	sshra.s32 s19, $0x2;
	s19 =	sadd.s32 $0x200, s19;
	v14 =	vld.idx.msk [tilespmem:v13+s23+$0x0], $0xffff;
	v13 =	vadd.s32 v8, v22  }
0x1f9: {  	v19 =	vld [tilespmem:s4+$0x2480];
	_ =	sdelay $0x4  }
0x1fa: {  	v19 =	vadd.s32 v1, v19  }
0x1fb: {  	v20 =	vld [tilespmem:s4+$0x2490];
	_ =	sdelay $0x3  }
0x1fc: {  	v19 =	vld.idx.msk [tilespmem:v19+s23+$0x0], $0xffff  }
0x1fd: {  	v20 =	vadd.s32 v3, v20  }
0x1fe: {  	v21 =	vld [tilespmem:s4+$0x24A0];
	_ =	sdelay $0x1  }
0x1ff: {  	[tilespmem:s2+$0x4E80] =	vst v16  }
0x200: {  	v16 =	vld.idx.msk [tilespmem:v18+s23+$0x0], $0xffff;
	[tilespmem:s4+$0x4E80] =	vst v19  }
0x201: {  	v17 =	vadd.s32 v4, v17;
	v18 =	vld.idx.msk [tilespmem:v20+s23+$0x0], $0xffff  }
0x202: {  	v19 =	vld [tilespmem:s2+$0x24B0];
	v20 =	vadd.s32 v4, v21  }
0x203: {  	v61 =	vld [tilespmem:s4+$0x24B0];
	_ =	sdelay $0x1  }
0x204: {  	[tilespmem:s2+$0x4E90] =	vst v16  }
0x205: {  	v16 =	vld.idx.msk [tilespmem:v17+s23+$0x0], $0xffff;
	[tilespmem:s4+$0x4E90] =	vst v18  }
0x206: {  	v17 =	vadd.s32 v5, v19;
	v18 =	vld.idx.msk [tilespmem:v20+s23+$0x0], $0xffff  }
0x207: {  	v19 =	vld [tilespmem:s2+$0x24C0];
	v20 =	vadd.s32 v5, v61  }
0x208: {  	[tilespmem:s1+$0x4EB0] =	vst v14;
	v14 =	vld [tilespmem:s4+$0x24C0];
	_ =	sdelay $0x1  }
0x209: {  	v23 =	vld [tilespmem:s1+$0x24D0];
	[tilespmem:s2+$0x4EA0] =	vst v16  }
0x20a: {  	v15 =	vadd.s32 v6, v15;
	v16 =	vld.idx.msk [tilespmem:v17+s23+$0x0], $0xffff;
	[tilespmem:s4+$0x4EA0] =	vst v18  }
0x20b: {  	v17 =	vadd.s32 v6, v19;
	v18 =	vld.idx.msk [tilespmem:v20+s23+$0x0], $0xffff  }
0x20c: {  	v14 =	vadd.s32 v6, v14;
	v19 =	vld [tilespmem:s2+$0x24D0]  }
0x20d: {  	v20 =	vld [tilespmem:s4+$0x24D0]  }
0x20e: {  	v62 =	vld [tilespmem:s1+$0x24E0]  }
0x20f: {  	v15 =	vld.idx.msk [tilespmem:v15+s23+$0x0], $0xffff;
	[tilespmem:s2+$0x4EB0] =	vst v16  }
0x210: {  	v23 =	vadd.s32 v7, v23;
	v17 =	vld.idx.msk [tilespmem:v17+s23+$0x0], $0xffff;
	[tilespmem:s4+$0x4EB0] =	vst v18  }
0x211: {  	v18 =	vadd.s32 v7, v19;
	v14 =	vld.idx.msk [tilespmem:v14+s23+$0x0], $0xffff  }
0x212: {  	v19 =	vld [tilespmem:s2+$0x24E0];
	v20 =	vadd.s32 v7, v20  }
0x213: {  	v25 =	vld [tilespmem:s4+$0x24E0]  }
0x214: {  	v22 =	vld [tilespmem:s1+$0x24F0];
	[tilespmem:s1+$0x4EC0] =	vst v15  }
0x215: {  	v15 =	vld.idx.msk [tilespmem:v23+s23+$0x0], $0xffff;
	[tilespmem:s2+$0x4EC0] =	vst v17  }
0x216: {  	v17 =	vld.idx.msk [tilespmem:v18+s23+$0x0], $0xffff;
	[tilespmem:s4+$0x4EC0] =	vst v14;
	v14 =	vadd.s32 v8, v62  }
0x217: {  	v18 =	vadd.s32 v8, v19;
	v19 =	vld.idx.msk [tilespmem:v20+s23+$0x0], $0xffff  }
0x218: {  	v24 =	vld [tilespmem:s2+$0x24F0];
	v20 =	vadd.s32 v8, v25  }
0x219: {  	[tilespmem:s0+$0x4ED0] =	vst v12;
	v16 =	vld [tilespmem:s4+$0x24F0]  }
0x21a: {  	v12 =	vld.idx.msk [tilespmem:v13+s23+$0x0], $0xffff;
	[tilespmem:s1+$0x4ED0] =	vst v15  }
0x21b: {  	v10 =	vadd.s32 v9, v10;
	[tilespmem:s2+$0x4ED0] =	vst v17;
	v13 =	vld.idx.msk [tilespmem:v14+s23+$0x0], $0xffff  }
0x21c: {  	v14 =	vadd.s32 v9, v22;
	v15 =	vld.idx.msk [tilespmem:v18+s23+$0x0], $0xffff;
	[tilespmem:s4+$0x4ED0] =	vst v19  }
0x21d: {  	v17 =	vadd.s32 v9, v24;
	v18 =	vld.idx.msk [tilespmem:v20+s23+$0x0], $0xffff  }
0x21e: {  	v16 =	vadd.s32 v9, v16  }
0x21f: {  	[tilespmem:s0+$0x4EE0] =	vst v12  }
0x220: {  	v10 =	vld.idx.msk [tilespmem:v10+s23+$0x0], $0xffff;
	[tilespmem:s1+$0x4EE0] =	vst v13  }
0x221: {  	[tilespmem:s2+$0x4EE0] =	vst v15;
	v12 =	vld.idx.msk [tilespmem:v14+s23+$0x0], $0xffff  }
0x222: {  	v13 =	vld.idx.msk [tilespmem:v17+s23+$0x0], $0xffff;
	[tilespmem:s4+$0x4EE0] =	vst v18  }
0x223: {  	v14 =	vld.idx.msk [tilespmem:v16+s23+$0x0], $0xffff  }
0x224: {  	[tilespmem:s31+$0x4EF0] =	vst v11  }
0x225: {  	[tilespmem:s0+$0x4EF0] =	vst v10  }
0x226: {  	[tilespmem:s1+$0x4EF0] =	vst v12  }
0x227: {  	[tilespmem:s2+$0x4EF0] =	vst v13  }
0x228: {  	[tilespmem:s4+$0x4EF0] =	vst v14  }
0x229: {  	[hbm4b:s13+s16] =	stream.strided.scatter [tilespmem:s26], [sflag:$0x4], $0x1400, s17, s16, $0x38;
	[tilespmem:$0x6280] =	vst v63  }
0x22a: {  	_ =	swait.ge [sflag:s22], $0x1400  }
0x22b: {  	[sflag:s22] =	ssyncset.done $0x0  }
0x22c: {  	[sflag:s22] =	ssyncadd.s32 $0xFFFFEC00  }
0x22d: {  	_ =	swait.ge [sflag:s28], $0x1400  }
0x22e: {  	[sflag:s28] =	ssyncset.done $0x0  }
0x22f: {  	s31 =	simm.s32 $0x0;
	[sflag:s28] =	ssyncadd.s32 $0xFFFFEC00  }
0x230: {  	v10 =	vld [tilespmem:s31+$0x1080];
	_ =	sdelay $0x4  }
0x231: {  	v10 =	vadd.s32 v1, v10  }
0x232: {  	v11 =	vld [tilespmem:s31+$0x1090];
	_ =	sdelay $0x3  }
0x233: {  	v10 =	vld.idx.msk [tilespmem:v10+s23+$0x0], $0xffff  }
0x234: {  	v11 =	vadd.s32 v3, v11  }
0x235: {  	s0 =	simm.s32 $0x80;
	v12 =	vld [tilespmem:s31+$0x10A0]  }
0x236: {  	v13 =	vld [tilespmem:s0+$0x1080];
	_ =	sdelay $0x1  }
0x237: {  	[tilespmem:s31+$0x3A80] =	vst v10  }
0x238: {  	v10 =	vld.idx.msk [tilespmem:v11+s23+$0x0], $0xffff  }
0x239: {  	v11 =	vadd.s32 v4, v12  }
0x23a: {  	v12 =	vadd.s32 v1, v13;
	v13 =	vld [tilespmem:s31+$0x10B0];
	_ =	sdelay $0x1  }
0x23b: {  	v14 =	vld [tilespmem:s0+$0x1090]  }
0x23c: {  	[tilespmem:s31+$0x3A90] =	vst v10  }
0x23d: {  	v10 =	vld.idx.msk [tilespmem:v11+s23+$0x0], $0xffff  }
0x23e: {  	v11 =	vld.idx.msk [tilespmem:v12+s23+$0x0], $0xffff;
	v12 =	vadd.s32 v5, v13;
	_ =	sdelay $0x1  }
0x23f: {  	v14 =	vadd.s32 v3, v14;
	v13 =	vld [tilespmem:s31+$0x10C0];
	_ =	sdelay $0x1  }
0x240: {  	v15 =	vld [tilespmem:s0+$0x10A0];
	[tilespmem:s31+$0x3AA0] =	vst v10  }
0x241: {  	s1 =	simm.s32 $0x100;
	v10 =	vld.idx.msk [tilespmem:v12+s23+$0x0], $0xffff  }
0x242: {  	[tilespmem:s0+$0x3A80] =	vst v11;
	v12 =	vld [tilespmem:s1+$0x1080]  }
0x243: {  	v11 =	vadd.s32 v6, v13;
	v13 =	vld.idx.msk [tilespmem:v14+s23+$0x0], $0xffff  }
0x244: {  	v14 =	vld [tilespmem:s31+$0x10D0]  }
0x245: {  	v15 =	vadd.s32 v4, v15  }
0x246: {  	v17 =	vld [tilespmem:s0+$0x10B0]  }
0x247: {  	v16 =	vld [tilespmem:s31+$0x10F0];
	[tilespmem:s31+$0x3AB0] =	vst v10  }
0x248: {  	v10 =	vadd.s32 v1, v12;
	v11 =	vld.idx.msk [tilespmem:v11+s23+$0x0], $0xffff  }
0x249: {  	v12 =	vld [tilespmem:s1+$0x1090];
	[tilespmem:s0+$0x3A90] =	vst v13;
	v13 =	vadd.s32 v7, v14  }
0x24a: {  	v14 =	vld.idx.msk [tilespmem:v15+s23+$0x0], $0xffff  }
0x24b: {  	v17 =	vadd.s32 v5, v17;
	v15 =	vld [tilespmem:s31+$0x10E0]  }
0x24c: {  	v18 =	vld [tilespmem:s0+$0x10C0]  }
0x24d: {  	v10 =	vld.idx.msk [tilespmem:v10+s23+$0x0], $0xffff;
	[tilespmem:s31+$0x3AC0] =	vst v11  }
0x24e: {  	v11 =	vld.idx.msk [tilespmem:v13+s23+$0x0], $0xffff  }
0x24f: {  	v12 =	vadd.s32 v3, v12;
	[tilespmem:s0+$0x3AA0] =	vst v14;
	v13 =	vld [tilespmem:s1+$0x10A0]  }
0x250: {  	s2 =	simm.s32 $0x180;
	v15 =	vadd.s32 v8, v15;
	v14 =	vld.idx.msk [tilespmem:v17+s23+$0x0], $0xffff  }
0x251: {  	v17 =	vld [tilespmem:s2+$0x1080]  }
0x252: {  	v19 =	vld [tilespmem:s0+$0x10D0]  }
0x253: {  	v20 =	vld [tilespmem:s2+$0x1090];
	v18 =	vadd.s32 v6, v18;
	[tilespmem:s1+$0x3A80] =	vst v10  }
0x254: {  	v12 =	vld.idx.msk [tilespmem:v12+s23+$0x0], $0xffff;
	[tilespmem:s31+$0x3AD0] =	vst v11  }
0x255: {  	v13 =	vadd.s32 v4, v13;
	v11 =	vld.idx.msk [tilespmem:v15+s23+$0x0], $0xffff  }
0x256: {  	v15 =	vadd.s32 v1, v17;
	v17 =	vld [tilespmem:s1+$0x10B0]  }
0x257: {  	v10 =	vld [tilespmem:s0+$0x10F0];
	[tilespmem:s0+$0x3AB0] =	vst v14  }
0x258: {  	v14 =	vld.idx.msk [tilespmem:v18+s23+$0x0], $0xffff;
	v18 =	vadd.s32 v9, v16  }
0x259: {  	[tilespmem:s1+$0x3A90] =	vst v12;
	v12 =	vadd.s32 v7, v19;
	v19 =	vld [tilespmem:s0+$0x10E0]  }
0x25a: {  	v13 =	vld.idx.msk [tilespmem:v13+s23+$0x0], $0xffff  }
0x25b: {  	v16 =	vld.idx.msk [tilespmem:v15+s23+$0x0], $0xffff;
	v63 =	vadd.s32 v5, v17  }
0x25c: {  	[tilespmem:s31+$0x3AE0] =	vst v11;
	v15 =	vld [tilespmem:s1+$0x10C0]  }
0x25d: {  	v11 =	vld.idx.msk [tilespmem:v18+s23+$0x0], $0xffff;
	v18 =	vadd.s32 v3, v20  }
0x25e: {  	[tilespmem:s0+$0x3AC0] =	vst v14;
	v17 =	vld [tilespmem:s2+$0x10A0]  }
0x25f: {  	v12 =	vld.idx.msk [tilespmem:v12+s23+$0x0], $0xffff;
	[tilespmem:s1+$0x3AA0] =	vst v13  }
0x260: {  	s19 =	simm.s32 $0xA00;
	s4 =	simm.s32 $0x200;
	v13 =	vadd.s32 v8, v19;
	v14 =	vld.idx.msk [tilespmem:v63+s23+$0x0], $0xffff  }
.LBB2_12:
0x261: {  	p0 =	sne.s32 s19, $0x4E00;
	v19 =	vld [tilespmem:s4+$0x1080];
	[tilespmem:s2+$0x3A80] =	vst v16  }
0x262: {  	v16 =	vld.idx.msk [tilespmem:v18+s23+$0x0], $0xffff;
	v15 =	vadd.s32 v6, v15;
	[tilespmem:s31+$0x3AF0] =	vst v11;
	s31 =	smov.u32 s0;
	s0 =	smov.u32 s1;
	s1 =	smov.u32 s2  }
0x263: {  	s2 =	smov.u32 s4;
	v11 =	vld [tilespmem:s0+$0x10F0]  }
0x264: {  	v17 =	vadd.s32 v4, v17;
	v18 =	vld [tilespmem:s0+$0x10D0];
	[tilespmem:s31+$0x3AD0] =	vst v12  }
0x265: {  	v12 =	vld.idx.msk [tilespmem:v13+s23+$0x0], $0xffff  }
0x266: {  	v13 =	vadd.s32 v1, v19;
	v19 =	vld [tilespmem:s1+$0x10B0];
	[tilespmem:s0+$0x3AB0] =	vst v14  }
0x267: {  	v14 =	vld.idx.msk [tilespmem:v15+s23+$0x0], $0xffff;
	v15 =	vadd.s32 v9, v10  }
0x268: {  	v20 =	vld [tilespmem:s2+$0x1090];
	[tilespmem:s1+$0x3A90] =	vst v16;
	v10 =	vmov v11  }
0x269: {  	v21 =	vld.idx.msk [tilespmem:v17+s23+$0x0], $0xffff;
	v17 =	vadd.s32 v7, v18  }
0x26a: {  	v22 =	vld [tilespmem:s0+$0x10E0]  }
0x26b: {  	v16 =	vld.idx.msk [tilespmem:v13+s23+$0x0], $0xffff;
	v13 =	vadd.s32 v5, v19;
	[tilespmem:s31+$0x3AE0] =	vst v12  }
.Ltmp5:
0x26c: {  	v11 =	vld.idx.msk [tilespmem:v15+s23+$0x0], $0xffff;
	(pc) =	sbr.rel @p0 .LBB2_12-.Ltmp5, $4  }
0x26d: {  	v18 =	vadd.s32 v3, v20;
	v15 =	vld [tilespmem:s1+$0x10C0];
	[tilespmem:s0+$0x3AC0] =	vst v14  }
0x26e: {  	v12 =	vld.idx.msk [tilespmem:v17+s23+$0x0], $0xffff  }
0x26f: {  	v17 =	vld [tilespmem:s2+$0x10A0];
	[tilespmem:s1+$0x3AA0] =	vst v21  }
0x270: {  	s4 =	sshra.s32 s19, $0x2;
	s19 =	sadd.s32 $0x200, s19;
	v14 =	vld.idx.msk [tilespmem:v13+s23+$0x0], $0xffff;
	v13 =	vadd.s32 v8, v22  }
0x271: {  	v19 =	vld [tilespmem:s4+$0x1080];
	_ =	sdelay $0x4  }
0x272: {  	v19 =	vadd.s32 v1, v19  }
0x273: {  	v20 =	vld [tilespmem:s4+$0x1090];
	_ =	sdelay $0x3  }
0x274: {  	v19 =	vld.idx.msk [tilespmem:v19+s23+$0x0], $0xffff  }
0x275: {  	v20 =	vadd.s32 v3, v20  }
0x276: {  	v21 =	vld [tilespmem:s4+$0x10A0];
	_ =	sdelay $0x1  }
0x277: {  	[tilespmem:s2+$0x3A80] =	vst v16  }
0x278: {  	v16 =	vld.idx.msk [tilespmem:v18+s23+$0x0], $0xffff;
	[tilespmem:s4+$0x3A80] =	vst v19  }
0x279: {  	v17 =	vadd.s32 v4, v17;
	v37 =	vld.idx.msk [tilespmem:v20+s23+$0x0], $0xffff  }
0x27a: {  	v38 =	vld [tilespmem:s2+$0x10B0];
	v39 =	vadd.s32 v4, v21  }
0x27b: {  	v40 =	vld [tilespmem:s4+$0x10B0];
	_ =	sdelay $0x1  }
0x27c: {  	[tilespmem:s2+$0x3A90] =	vst v16  }
0x27d: {  	v16 =	vld.idx.msk [tilespmem:v17+s23+$0x0], $0xffff;
	[tilespmem:s4+$0x3A90] =	vst v37  }
0x27e: {  	v41 =	vadd.s32 v5, v38;
	v18 =	vld.idx.msk [tilespmem:v39+s23+$0x0], $0xffff  }
0x27f: {  	v42 =	vld [tilespmem:s2+$0x10C0];
	v43 =	vadd.s32 v5, v40  }
0x280: {  	v44 =	vld [tilespmem:s4+$0x10C0];
	_ =	sdelay $0x1  }
0x281: {  	v23 =	vld [tilespmem:s1+$0x10D0];
	[tilespmem:s2+$0x3AA0] =	vst v16  }
0x282: {  	v15 =	vadd.s32 v6, v15;
	v16 =	vld.idx.msk [tilespmem:v41+s23+$0x0], $0xffff;
	[tilespmem:s4+$0x3AA0] =	vst v18  }
0x283: {  	v46 =	vadd.s32 v6, v42;
	v18 =	vld.idx.msk [tilespmem:v43+s23+$0x0], $0xffff  }
0x284: {  	v47 =	vld [tilespmem:s2+$0x10D0];
	[tilespmem:s1+$0x3AB0] =	vst v14;
	v14 =	vadd.s32 v6, v44  }
0x285: {  	v48 =	vld [tilespmem:s4+$0x10D0]  }
0x286: {  	v45 =	vld [tilespmem:s1+$0x10E0]  }
0x287: {  	v15 =	vld.idx.msk [tilespmem:v15+s23+$0x0], $0xffff;
	[tilespmem:s2+$0x3AB0] =	vst v16  }
0x288: {  	v23 =	vadd.s32 v7, v23;
	v17 =	vld.idx.msk [tilespmem:v46+s23+$0x0], $0xffff;
	[tilespmem:s4+$0x3AB0] =	vst v18  }
0x289: {  	v50 =	vadd.s32 v7, v47;
	v14 =	vld.idx.msk [tilespmem:v14+s23+$0x0], $0xffff  }
0x28a: {  	v51 =	vld [tilespmem:s2+$0x10E0];
	v20 =	vadd.s32 v7, v48  }
0x28b: {  	v25 =	vld [tilespmem:s4+$0x10E0]  }
0x28c: {  	v22 =	vld [tilespmem:s1+$0x10F0];
	[tilespmem:s1+$0x3AC0] =	vst v15  }
0x28d: {  	v15 =	vld.idx.msk [tilespmem:v23+s23+$0x0], $0xffff;
	[tilespmem:s2+$0x3AC0] =	vst v17  }
0x28e: {  	v52 =	vadd.s32 v8, v45;
	v17 =	vld.idx.msk [tilespmem:v50+s23+$0x0], $0xffff;
	[tilespmem:s4+$0x3AC0] =	vst v14  }
0x28f: {  	v53 =	vadd.s32 v8, v51;
	v54 =	vld.idx.msk [tilespmem:v20+s23+$0x0], $0xffff  }
0x290: {  	v24 =	vld [tilespmem:s2+$0x10F0];
	v55 =	vadd.s32 v8, v25  }
0x291: {  	v49 =	vld [tilespmem:s4+$0x10F0];
	[tilespmem:s0+$0x3AD0] =	vst v12  }
0x292: {  	v12 =	vld.idx.msk [tilespmem:v13+s23+$0x0], $0xffff;
	[tilespmem:s1+$0x3AD0] =	vst v15  }
0x293: {  	v10 =	vadd.s32 v9, v10;
	v56 =	vld.idx.msk [tilespmem:v52+s23+$0x0], $0xffff;
	[tilespmem:s2+$0x3AD0] =	vst v17  }
0x294: {  	v57 =	vadd.s32 v9, v22;
	v58 =	vld.idx.msk [tilespmem:v53+s23+$0x0], $0xffff;
	[tilespmem:s4+$0x3AD0] =	vst v54  }
0x295: {  	v59 =	vadd.s32 v9, v24;
	v60 =	vld.idx.msk [tilespmem:v55+s23+$0x0], $0xffff  }
0x296: {  	v16 =	vadd.s32 v9, v49  }
0x297: {  	[tilespmem:s0+$0x3AE0] =	vst v12  }
0x298: {  	v10 =	vld.idx.msk [tilespmem:v10+s23+$0x0], $0xffff;
	[tilespmem:s1+$0x3AE0] =	vst v56  }
0x299: {  	v61 =	vld.idx.msk [tilespmem:v57+s23+$0x0], $0xffff;
	[tilespmem:s2+$0x3AE0] =	vst v58  }
0x29a: {  	v62 =	vld.idx.msk [tilespmem:v59+s23+$0x0], $0xffff;
	[tilespmem:s4+$0x3AE0] =	vst v60  }
0x29b: {  	v63 =	vld.idx.msk [tilespmem:v16+s23+$0x0], $0xffff  }
0x29c: {  	[tilespmem:s31+$0x3AF0] =	vst v11  }
0x29d: {  	[tilespmem:s0+$0x3AF0] =	vst v10  }
0x29e: {  	[tilespmem:s1+$0x3AF0] =	vst v61  }
0x29f: {  	[tilespmem:s2+$0x3AF0] =	vst v62  }
0x2a0: {  	s30 =	sadd.s32 $0x1, s30;
	[tilespmem:s4+$0x3AF0] =	vst v63  }
0x2a1: {  	[hbm4b:s14+s16] =	stream.strided.scatter [tilespmem:s24], [sflag:$0x3], $0x1400, s17, s16, $0x38;
	[tilespmem:$0x6280] =	vst v63  }
0x2a2: {  	p0 =	sne.s32 s30, s15;
	_ =	swait.ge [sflag:s28], $0x1400  }
.Ltmp6:
0x2a3: {  	[sflag:s28] =	ssyncset.done $0x0;
	(pc) =	sbr.rel @p0 .LBB2_1-.Ltmp6, $4  }
0x2a4: {  	[sflag:s28] =	ssyncadd.s32 $0xFFFFEC00  }
0x2a5: {  	_ =	swait.ge [sflag:s29], $0x1400  }
0x2a6: {  	[sflag:s29] =	ssyncset.done $0x0  }
0x2a7: {  	[sflag:s29] =	ssyncadd.s32 $0xFFFFEC00  }
0x2a8: {  	_ =	sfence.sel $0x180000  }
0x2a9: {  	[bflag:$0x0] =	sbarrier.arrive $0xFFFF  }
0x2aa: {  	_ =	strace $0x90000047  }
0x2ab: {  	s0 =	stileid.u32;
	[bflag:$0x2] =	sbarrier.arrive $0xFFFF  }
0x2ac: {  	p0 =	sne.s32 s0, $0x0;
	s0 =	rddreg [dreg:$0x4]  }
0x2ad: {  	s0 =	sadd.s32 @!p0 $0x100000, s0  }
0x2ae: {  	[sflag:s0] =	ssyncadd.tile.s32 @!p0 $0x1;
	_ =	shalt  }
.Lfunc_end2:
_tile_overlayer_lowered:
.L_overlay_start_2:
0x2af: {  	(tag) =	ssettag $0x2  }
0x2b0: {  	s0 =	rddreg [dreg:$0x0];
	s2 =	stileid.u32  }
0x2b1: {  	s1 =	rddreg [dreg:$0x1];
	p0 =	sne.s32 s2, $0x0  }
0x2b2: {  	s3 =	rddreg [dreg:$0x2];
	[bflag:$0x3] =	sbarrier.arrive $0xFFFF;
	s2 =	simm.s32 @!p0 $0x1C05  }
0x2b3: {  	[timem:s3], [sflag:s2] =	dma.local @!p0 [hbm:s0], s1  }
0x2b4: {  	s0 =	simm.s32 @!p0 $0x5  }
0x2b5: {  	_ =	swait.ge @!p0 [sflag:s0], s1  }
0x2b6: {  	s1 =	ssub.s32 @!p0 $0x0, s1;
	[sflag:s0] =	ssyncset.done @!p0 $0x0  }
0x2b7: {  	[sflag:s0] =	ssyncadd.s32 @!p0 s1  }
0x2b8: {  	[bflag:$0x3] =	sbarrier.arrive $0xFFFF  }
0x2b9: {  	_ =	shalt  }

</sc_bundles>
